<compile_context>
chip_gen: v7x
topology: tpu7x:2x2x1
jax: 0.10.2.dev20260603
libtpu: 0.0.44.dev20260713+nightly
codegen_flags: <defaults>
</compile_context>

<pallas_src>
import functools

import jax
import jax.numpy as jnp
from jax import lax
from jax.experimental import pallas as pl
from jax.experimental.pallas import tpu as pltpu
from jax.experimental.pallas import tpu_sc as plsc

EPS = 1e-6
NC = 2
NS = 16
NW = NC * NS
L = 16
K = 64


def _sc_mesh():
    return plsc.VectorSubcoreMesh(
        core_axis_name="c", subcore_axis_name="s", num_cores=NC, num_subcores=NS
    )


def _make_degrees(E, N):
    assert E % NW == 0 and N % L == 0
    epw = E // NW
    assert epw % L == 0 and (epw * 4) % 8 == 0

    @functools.partial(
        pl.kernel,
        out_type=jax.ShapeDtypeStruct((NW * 2 * N,), jnp.float32),
        mesh=_sc_mesh(),
        compiler_params=pltpu.CompilerParams(needs_layout_passes=False),
        scratch_types=[
            pltpu.VMEM((N,), jnp.float32),
            pltpu.VMEM((N,), jnp.float32),
            pltpu.VMEM((epw,), jnp.int32),
            pltpu.VMEM((epw,), jnp.int32),
        ],
    )
    def deg_kernel(src_hbm, dst_hbm, out_hbm, hs, hd, si, di):
        c = lax.axis_index("c")
        s = lax.axis_index("s")
        wid = c * NS + s
        base = wid * epw
        zeros16 = jnp.zeros((L,), jnp.float32)
        ones16 = jnp.ones((L,), jnp.float32)

        pltpu.sync_copy(src_hbm.at[pl.ds(base, epw)], si)
        pltpu.sync_copy(dst_hbm.at[pl.ds(base, epw)], di)

        def zero_body(i, carry):
            hs[pl.ds(i * L, L)] = zeros16
            hd[pl.ds(i * L, L)] = zeros16
            return carry

        lax.fori_loop(0, N // L, zero_body, 0)

        def hist_body(i, carry):
            plsc.addupdate_scatter(hs, [si[pl.ds(i * L, L)]], ones16)
            plsc.addupdate_scatter(hd, [di[pl.ds(i * L, L)]], ones16)
            return carry

        lax.fori_loop(0, epw // L, hist_body, 0)

        pltpu.sync_copy(hs, out_hbm.at[pl.ds(wid * 2 * N, N)])
        pltpu.sync_copy(hd, out_hbm.at[pl.ds(wid * 2 * N + N, N)])

    return deg_kernel


def _make_aggregate(E_pad, N, D, NB, NTRASH):
    assert E_pad % (NW * K) == 0
    cpt = E_pad // (NW * K)
    assert cpt % NB == 0 and cpt >= 2 * NB
    NA = N + NTRASH
    rpt = NA // NS // 8 * 8
    ztail = NA - NS * rpt
    rpe = N // NS // 8 * 8
    etail = N - NS * rpe

    @functools.partial(
        pl.kernel,
        out_type=jax.ShapeDtypeStruct((NC, N, D), jnp.float32),
        mesh=_sc_mesh(),
        compiler_params=pltpu.CompilerParams(needs_layout_passes=False),
        scratch_types=(
            [pltpu.VMEM_SHARED((NA, D), jnp.float32)]
            + [pltpu.VMEM((K,), jnp.int32) for _ in range(2 * NB)]
            + [pltpu.VMEM((K, D), jnp.float32) for _ in range(NB)]
            + [pltpu.SemaphoreType.DMA for _ in range(4 * NB)]
        ),
    )
    def agg_kernel(h_hbm, src_hbm, dst_hbm, zeros_hbm, out_hbm,
                   acc, *scratch):
        I = scratch[:NB]
        J = scratch[NB:2 * NB]
        R = scratch[2 * NB:3 * NB]
        sg = scratch[3 * NB:4 * NB]
        si_ = scratch[4 * NB:5 * NB]
        sj = scratch[5 * NB:6 * NB]
        ss = scratch[6 * NB:7 * NB]
        c = lax.axis_index("c")
        s = lax.axis_index("s")
        wid = c * NS + s
        ebase = wid * cpt * K

        pltpu.sync_copy(zeros_hbm.at[pl.ds(s * rpt, rpt)],
                        acc.at[pl.ds(s * rpt, rpt)])
        if ztail:
            @pl.when(s == NS - 1)
            def _():
                pltpu.sync_copy(zeros_hbm.at[pl.ds(NS * rpt, ztail)],
                                acc.at[pl.ds(NS * rpt, ztail)])
        plsc.subcore_barrier()

        def idx_copy(hbm, j, buf, sem):
            pltpu.async_copy(hbm.at[pl.ds(ebase + j * K, K)], buf, sem)

        def idx_wait(hbm, buf, sem):
            pltpu.make_async_copy(hbm.at[pl.ds(ebase, K)], buf, sem).wait()

        def gather(buf_idx, buf, sem):
            pltpu.async_copy(h_hbm.at[buf_idx], buf, sem)

        def gather_wait(buf_idx, buf, sem):
            pltpu.make_async_copy(h_hbm.at[buf_idx], buf, sem).wait()

        def scatter(buf, buf_idx, sem):
            pltpu.async_copy(buf, acc.at[buf_idx], sem, add=True)

        def scatter_wait(buf, buf_idx, sem):
            pltpu.make_async_copy(buf, acc.at[buf_idx], sem).wait()

        for p in range(NB):
            idx_copy(src_hbm, p, I[p], si_[p])
            idx_copy(dst_hbm, p, J[p], sj[p])
        for p in range(NB):
            idx_wait(src_hbm, I[p], si_[p])
            gather(I[p], R[p], sg[p])

        def pipe_body(i, carry):
            for p in range(NB):
                gather_wait(I[p], R[p], sg[p])
                idx_copy(src_hbm, NB * i + NB + p, I[p], si_[p])
                idx_wait(dst_hbm, J[p], sj[p])
                scatter(R[p], J[p], ss[p])
            for p in range(NB):
                idx_wait(src_hbm, I[p], si_[p])
                scatter_wait(R[p], J[p], ss[p])
                gather(I[p], R[p], sg[p])
                idx_copy(dst_hbm, NB * i + NB + p, J[p], sj[p])
            return carry

        lax.fori_loop(0, cpt // NB - 1, pipe_body, 0)

        for p in range(NB):
            gather_wait(I[p], R[p], sg[p])
            idx_wait(dst_hbm, J[p], sj[p])
            scatter(R[p], J[p], ss[p])
        for p in range(NB):
            scatter_wait(R[p], J[p], ss[p])

        plsc.subcore_barrier()
        pltpu.sync_copy(acc.at[pl.ds(s * rpe, rpe)],
                        out_hbm.at[c, pl.ds(s * rpe, rpe)])
        if etail:
            @pl.when(s == NS - 1)
            def _():
                pltpu.sync_copy(acc.at[pl.ds(NS * rpe, etail)],
                                out_hbm.at[c, pl.ds(NS * rpe, etail)])

    return agg_kernel


def _prep(x, hist, a2, b2, block_n):
    N, D = x.shape

    def body(x_ref, hist_ref, a2_ref, b2_ref, h_ref):
        xb = x_ref[...]
        mean = jnp.mean(xb, axis=1, keepdims=True)
        xc = xb - mean
        std = jnp.sqrt(jnp.sum(xc * xc, axis=1, keepdims=True) / (D - 1))
        hn = a2_ref[...] * xc / (std + EPS) + b2_ref[...]
        out_deg = jnp.maximum(jnp.sum(hist_ref[...][:, 0, :], axis=0), 1.0)
        h_ref[...] = hn * lax.rsqrt(out_deg)[:, None]

    return pl.pallas_call(
        body,
        grid=(pl.cdiv(N, block_n),),
        in_specs=[
            pl.BlockSpec((block_n, D), lambda i: (i, 0)),
            pl.BlockSpec((NW, 2, block_n), lambda i: (0, 0, i)),
            pl.BlockSpec((1, D), lambda i: (0, 0)),
            pl.BlockSpec((1, D), lambda i: (0, 0)),
        ],
        out_specs=pl.BlockSpec((block_n, D), lambda i: (i, 0)),
        out_shape=jax.ShapeDtypeStruct((N, D), jnp.float32),
    )(x, hist, a2.reshape(1, D), b2.reshape(1, D))


def _finish(parts, hist, x, W, b, block_n):
    N, D = x.shape

    def body(parts_ref, hist_ref, x_ref, w_ref, b_ref, out_ref):
        agg = parts_ref[0] + parts_ref[1]
        in_deg = jnp.maximum(jnp.sum(hist_ref[...][:, 1, :], axis=0), 1.0)
        agg = agg * lax.rsqrt(in_deg)[:, None]
        out = jnp.dot(agg, w_ref[...], preferred_element_type=jnp.float32)
        out_ref[...] = jnp.maximum(out + b_ref[...], 0.0) + x_ref[...]

    return pl.pallas_call(
        body,
        grid=(pl.cdiv(N, block_n),),
        in_specs=[
            pl.BlockSpec((NC, block_n, D), lambda i: (0, i, 0)),
            pl.BlockSpec((NW, 2, block_n), lambda i: (0, 0, i)),
            pl.BlockSpec((block_n, D), lambda i: (i, 0)),
            pl.BlockSpec((D, D), lambda i: (0, 0)),
            pl.BlockSpec((1, D), lambda i: (0, 0)),
        ],
        out_specs=pl.BlockSpec((block_n, D), lambda i: (i, 0)),
        out_shape=jax.ShapeDtypeStruct((N, D), jnp.float32),
    )(parts, hist, x, W, b.reshape(1, D))


def kernel(x, edge_index, W, b, a2, b2):
    N, D = x.shape
    E = edge_index.shape[1]
    src = edge_index[0]
    dst = edge_index[1]

    hist = _make_degrees(E, N)(src, dst).reshape(NW, 2, N)

    block_n = 1024
    h = _prep(x, hist, a2, b2, block_n)

    NB = 5
    NTRASH = 64
    epw = E // NW
    epw_pad = -(-epw // (NB * K)) * (NB * K)
    E_pad = epw_pad * NW
    padw = epw_pad - epw
    pad_src = (jnp.arange(NW * padw, dtype=jnp.int32) % N).reshape(NW, padw)
    pad_dst = (N + jnp.arange(NW * padw, dtype=jnp.int32) % NTRASH).reshape(NW, padw)
    src_p = jnp.concatenate([src.reshape(NW, epw), pad_src], axis=1).reshape(-1)
    dst_p = jnp.concatenate([dst.reshape(NW, epw), pad_dst], axis=1).reshape(-1)
    zeros = jnp.zeros((N + NTRASH, D), jnp.float32)
    parts = _make_aggregate(E_pad, N, D, NB, NTRASH)(h, src_p, dst_p, zeros)

    return _finish(parts, hist, x, W, b, block_n)

# --- scband reference (transcript-rebuilt; emitter-appended) ---
"""Pipeline reference for scband-gcnlayer-65429531787486 (READ-ONLY COPY).

The authoritative reference and input builder live on the scoring server;
editing this copy changes nothing except your own understanding.
"""

import jax, jax.numpy as jnp
import numpy as np

N = 10000
E = 320000
D = 128
EPS = 1e-6


def setup_inputs(seed: int = 0) -> dict:
    key = jax.random.key(seed)
    k1, k2, k3, k4 = jax.random.split(key, 4)
    x = jax.random.normal(k1, (N, D), dtype=jnp.float32)
    edge_index = jax.random.randint(k2, (2, E), 0, N).astype(jnp.int32)
    # GraphConv weight (glorot) and bias
    W = jax.random.normal(k3, (D, D), dtype=jnp.float32) * (2.0 / (D + D)) ** 0.5
    b = jnp.zeros((D,), dtype=jnp.float32)
    # LayerNorm params
    a2 = jnp.ones((D,), dtype=jnp.float32)
    b2 = jnp.zeros((D,), dtype=jnp.float32)
    return {"x": x, "edge_index": edge_index, "W": W, "b": b, "a2": a2, "b2": b2}


def reference(x, edge_index, W, b, a2, b2):
    src = edge_index[0]
    dst = edge_index[1]
    # LayerNorm (torch std is unbiased, ddof=1)
    mean = jnp.mean(x, axis=-1, keepdims=True)
    std = jnp.std(x, axis=-1, ddof=1, keepdims=True)
    h = a2 * (x - mean) / (std + EPS) + b2
    # DGL GraphConv norm='both': D_out^{-1/2} A D_in^{-1/2}
    ones = jnp.ones((E,), dtype=jnp.float32)
    out_deg = jnp.clip(jax.ops.segment_sum(ones, src, num_segments=N), 1.0)
    in_deg = jnp.clip(jax.ops.segment_sum(ones, dst, num_segments=N), 1.0)
    h = h * (out_deg ** -0.5)[:, None]
    agg = jax.ops.segment_sum(h[src], dst, num_segments=N)
    agg = agg * (in_deg ** -0.5)[:, None]
    out = agg @ W + b
    out = jax.nn.relu(out)
    # residual: in_feats == out_feats -> Identity on original feat
    out = out + x
    # dropout p=0.0 -> identity
    return out

if __name__ == "__main__":
    import jax
    _d = setup_inputs()
    print(jax.jit(kernel)(*tuple(_d.values())))

</pallas_src>

<mosaic_0001>
#map = affine_map<(d0, d1) -> (0)>
module attributes {stable_mosaic.version = 14 : i64} {
  func.func @deg_kernel(%arg0: i32, %arg1: i32, %arg2: memref<320000xi32, #tpu.memory_space<hbm>>, %arg3: memref<320000xi32, #tpu.memory_space<hbm>>, %arg4: memref<640000xf32, #tpu.memory_space<hbm>>, %arg5: memref<10000xf32, #tpu.memory_space<vmem>>, %arg6: memref<10000xf32, #tpu.memory_space<vmem>>, %arg7: memref<10000xi32, #tpu.memory_space<vmem>>, %arg8: memref<10000xi32, #tpu.memory_space<vmem>>) attributes {dimension_semantics = [#tpu.dimension_semantics<core_parallel>, #tpu.dimension_semantics<subcore_parallel>], iteration_bounds = array<i64: 2, 16>, scalar_prefetch = 0 : i64, scratch_operands = 4 : i64, tpu.core_type = #tpu.core_type<sc_vector_subcore>, window_params = [{transform_indices = #map}, {transform_indices = #map}, {transform_indices = #map}]} {
    %mul3A = arith.constant 16 : i32
    %mul3A_0 = arith.muli %arg0, %mul3A : i32
    %add3A = arith.addi %mul3A_0, %arg1 : i32
    %mul3A_1 = arith.constant 10000 : i32
    %mul3A_2 = arith.muli %add3A, %mul3A_1 : i32
    %broadcast_in_dim3A = arith.constant 0.000000e+00 : f32
    %broadcast_in_dim3A_3 = vector.broadcast %broadcast_in_dim3A : f32 to vector<16xf32>
    %broadcast_in_dim3A_4 = arith.constant 1.000000e+00 : f32
    %broadcast_in_dim3A_5 = vector.broadcast %broadcast_in_dim3A_4 : f32 to vector<16xf32>
    "tpu.region"() ({
      %run_scoped3A = tpu.sem_alloc : memref<!tpu.dma_semaphore, #tpu.memory_space<semaphore_mem>>
      %dma_start3A = tpu.memref_slice %arg2[%mul3A_2] : memref<320000xi32, #tpu.memory_space<hbm>> -> memref<10000xi32, #tpu.memory_space<hbm>>
      %dma_start3A_27 = tpu.memref_slice %arg2[%mul3A_2] : memref<320000xi32, #tpu.memory_space<hbm>> -> memref<10000xi32, #tpu.memory_space<hbm>>
      tpu.enqueue_dma source(%dma_start3A_27 : memref<10000xi32, #tpu.memory_space<hbm>>) target(%arg7 : memref<10000xi32, #tpu.memory_space<vmem>>) target_semaphore(%run_scoped3A : memref<!tpu.dma_semaphore, #tpu.memory_space<semaphore_mem>>)
      %dma_wait3A = tpu.memref_slice %arg2[%mul3A_2] : memref<320000xi32, #tpu.memory_space<hbm>> -> memref<10000xi32, #tpu.memory_space<hbm>>
      %dma_wait3A_28 = tpu.memref_slice %arg2[%mul3A_2] : memref<320000xi32, #tpu.memory_space<hbm>> -> memref<10000xi32, #tpu.memory_space<hbm>>
      tpu.wait_dma2 semaphore(%run_scoped3A : memref<!tpu.dma_semaphore, #tpu.memory_space<semaphore_mem>>) src(%dma_wait3A_28 : memref<10000xi32, #tpu.memory_space<hbm>>) dst(%arg7 : memref<10000xi32, #tpu.memory_space<vmem>>)
      tpu.yield
    }) : () -> ()
    "tpu.region"() ({
      %run_scoped3A = tpu.sem_alloc : memref<!tpu.dma_semaphore, #tpu.memory_space<semaphore_mem>>
      %dma_start3A = tpu.memref_slice %arg3[%mul3A_2] : memref<320000xi32, #tpu.memory_space<hbm>> -> memref<10000xi32, #tpu.memory_space<hbm>>
      %dma_start3A_27 = tpu.memref_slice %arg3[%mul3A_2] : memref<320000xi32, #tpu.memory_space<hbm>> -> memref<10000xi32, #tpu.memory_space<hbm>>
      tpu.enqueue_dma source(%dma_start3A_27 : memref<10000xi32, #tpu.memory_space<hbm>>) target(%arg8 : memref<10000xi32, #tpu.memory_space<vmem>>) target_semaphore(%run_scoped3A : memref<!tpu.dma_semaphore, #tpu.memory_space<semaphore_mem>>)
      %dma_wait3A = tpu.memref_slice %arg3[%mul3A_2] : memref<320000xi32, #tpu.memory_space<hbm>> -> memref<10000xi32, #tpu.memory_space<hbm>>
      %dma_wait3A_28 = tpu.memref_slice %arg3[%mul3A_2] : memref<320000xi32, #tpu.memory_space<hbm>> -> memref<10000xi32, #tpu.memory_space<hbm>>
      tpu.wait_dma2 semaphore(%run_scoped3A : memref<!tpu.dma_semaphore, #tpu.memory_space<semaphore_mem>>) src(%dma_wait3A_28 : memref<10000xi32, #tpu.memory_space<hbm>>) dst(%arg8 : memref<10000xi32, #tpu.memory_space<vmem>>)
      tpu.yield
    }) : () -> ()
    %scan3A = arith.constant 0 : i32
    %scan3A_6 = arith.constant 0 : i32
    %scan3A_7 = arith.constant 625 : i32
    %scan3A_8 = arith.addi %scan3A_6, %scan3A_7 : i32
    %scan3A_9 = arith.constant 1 : i32
    scf.for %scan3A_27 = %scan3A_6 to %scan3A_8 step %scan3A_9  : i32 {
      %mul3A_28 = arith.constant 16 : i32
      %mul3A_29 = arith.muli %scan3A_27, %mul3A_28 : i32
      %swap3A = arith.index_cast %mul3A_29 : i32 to index
      %swap3A_30 = tpu.vector_load %arg5[%swap3A] {strides = array<i32>} : memref<10000xf32, #tpu.memory_space<vmem>>, vector<16xf32>,
      tpu.vector_store %arg5[%swap3A], %broadcast_in_dim3A_3 {strides = array<i32>} : memref<10000xf32, #tpu.memory_space<vmem>>, vector<16xf32>,
      %mul3A_31 = arith.constant 16 : i32
      %mul3A_32 = arith.muli %scan3A_27, %mul3A_31 : i32
      %swap3A_33 = arith.index_cast %mul3A_32 : i32 to index
      %swap3A_34 = tpu.vector_load %arg6[%swap3A_33] {strides = array<i32>} : memref<10000xf32, #tpu.memory_space<vmem>>, vector<16xf32>,
      tpu.vector_store %arg6[%swap3A_33], %broadcast_in_dim3A_3 {strides = array<i32>} : memref<10000xf32, #tpu.memory_space<vmem>>, vector<16xf32>,
    }
    %scan3A_10 = arith.constant 625 : i32
    %scan3A_11 = arith.constant 0 : i32
    %scan3A_12 = arith.constant 0 : i32
    %scan3A_13 = arith.constant 625 : i32
    %scan3A_14 = arith.addi %scan3A_12, %scan3A_13 : i32
    %scan3A_15 = arith.constant 1 : i32
    scf.for %scan3A_27 = %scan3A_12 to %scan3A_14 step %scan3A_15  : i32 {
      %mul3A_28 = arith.constant 16 : i32
      %mul3A_29 = arith.muli %scan3A_27, %mul3A_28 : i32
      %get3A = arith.index_cast %mul3A_29 : i32 to index
      %get3A_30 = tpu.vector_load %arg7[%get3A] {strides = array<i32>} : memref<10000xi32, #tpu.memory_space<vmem>>, vector<16xi32>,
      tpu.vector_store_idx %arg5[%get3A_30], %broadcast_in_dim3A_5 {add = true} : memref<10000xf32, #tpu.memory_space<vmem>>[vector<16xi32>], vector<16xf32>,
      %mul3A_31 = arith.constant 16 : i32
      %mul3A_32 = arith.muli %scan3A_27, %mul3A_31 : i32
      %get3A_33 = arith.index_cast %mul3A_32 : i32 to index
      %get3A_34 = tpu.vector_load %arg8[%get3A_33] {strides = array<i32>} : memref<10000xi32, #tpu.memory_space<vmem>>, vector<16xi32>,
      tpu.vector_store_idx %arg6[%get3A_34], %broadcast_in_dim3A_5 {add = true} : memref<10000xf32, #tpu.memory_space<vmem>>[vector<16xi32>], vector<16xf32>,
    }
    %scan3A_16 = arith.constant 625 : i32
    %mul3A_17 = arith.constant 2 : i32
    %mul3A_18 = arith.muli %add3A, %mul3A_17 : i32
    %mul3A_19 = arith.constant 10000 : i32
    %mul3A_20 = arith.muli %mul3A_18, %mul3A_19 : i32
    "tpu.region"() ({
      %run_scoped3A = tpu.sem_alloc : memref<!tpu.dma_semaphore, #tpu.memory_space<semaphore_mem>>
      %dma_start3A = tpu.memref_slice %arg4[%mul3A_20] : memref<640000xf32, #tpu.memory_space<hbm>> -> memref<10000xf32, #tpu.memory_space<hbm>>
      %dma_start3A_27 = tpu.memref_slice %arg4[%mul3A_20] : memref<640000xf32, #tpu.memory_space<hbm>> -> memref<10000xf32, #tpu.memory_space<hbm>>
      tpu.enqueue_dma source(%arg5 : memref<10000xf32, #tpu.memory_space<vmem>>) target(%dma_start3A_27 : memref<10000xf32, #tpu.memory_space<hbm>>) target_semaphore(%run_scoped3A : memref<!tpu.dma_semaphore, #tpu.memory_space<semaphore_mem>>)
      %dma_wait3A = tpu.memref_slice %arg4[%mul3A_20] : memref<640000xf32, #tpu.memory_space<hbm>> -> memref<10000xf32, #tpu.memory_space<hbm>>
      %dma_wait3A_28 = tpu.memref_slice %arg4[%mul3A_20] : memref<640000xf32, #tpu.memory_space<hbm>> -> memref<10000xf32, #tpu.memory_space<hbm>>
      tpu.wait_dma2 semaphore(%run_scoped3A : memref<!tpu.dma_semaphore, #tpu.memory_space<semaphore_mem>>) src(%arg5 : memref<10000xf32, #tpu.memory_space<vmem>>) dst(%dma_wait3A_28 : memref<10000xf32, #tpu.memory_space<hbm>>)
      tpu.yield
    }) : () -> ()
    %mul3A_21 = arith.constant 2 : i32
    %mul3A_22 = arith.muli %add3A, %mul3A_21 : i32
    %mul3A_23 = arith.constant 10000 : i32
    %mul3A_24 = arith.muli %mul3A_22, %mul3A_23 : i32
    %add3A_25 = arith.constant 10000 : i32
    %add3A_26 = arith.addi %mul3A_24, %add3A_25 : i32
    "tpu.region"() ({
      %run_scoped3A = tpu.sem_alloc : memref<!tpu.dma_semaphore, #tpu.memory_space<semaphore_mem>>
      %dma_start3A = tpu.memref_slice %arg4[%add3A_26] : memref<640000xf32, #tpu.memory_space<hbm>> -> memref<10000xf32, #tpu.memory_space<hbm>>
      %dma_start3A_27 = tpu.memref_slice %arg4[%add3A_26] : memref<640000xf32, #tpu.memory_space<hbm>> -> memref<10000xf32, #tpu.memory_space<hbm>>
      tpu.enqueue_dma source(%arg6 : memref<10000xf32, #tpu.memory_space<vmem>>) target(%dma_start3A_27 : memref<10000xf32, #tpu.memory_space<hbm>>) target_semaphore(%run_scoped3A : memref<!tpu.dma_semaphore, #tpu.memory_space<semaphore_mem>>)
      %dma_wait3A = tpu.memref_slice %arg4[%add3A_26] : memref<640000xf32, #tpu.memory_space<hbm>> -> memref<10000xf32, #tpu.memory_space<hbm>>
      %dma_wait3A_28 = tpu.memref_slice %arg4[%add3A_26] : memref<640000xf32, #tpu.memory_space<hbm>> -> memref<10000xf32, #tpu.memory_space<hbm>>
      tpu.wait_dma2 semaphore(%run_scoped3A : memref<!tpu.dma_semaphore, #tpu.memory_space<semaphore_mem>>) src(%arg6 : memref<10000xf32, #tpu.memory_space<vmem>>) dst(%dma_wait3A_28 : memref<10000xf32, #tpu.memory_space<hbm>>)
      tpu.yield
    }) : () -> ()
    return
  }
}

#map = affine_map<(d0, d1) -> (0, 0)>
#map1 = affine_map<(d0, d1) -> (0)>
#map2 = affine_map<(d0, d1) -> (0, 0, 0)>
module attributes {stable_mosaic.version = 14 : i64} {
  func.func @agg_kernel(%arg0: i32, %arg1: i32, %arg2: memref<10000x128xf32, #tpu.memory_space<hbm>>, %arg3: memref<327680xi32, #tpu.memory_space<hbm>>, %arg4: memref<327680xi32, #tpu.memory_space<hbm>>, %arg5: memref<10064x128xf32, #tpu.memory_space<hbm>>, %arg6: memref<2x10000x128xf32, #tpu.memory_space<hbm>>, %arg7: memref<10064x128xf32, #tpu.memory_space<vmem_shared>>, %arg8: memref<64xi32, #tpu.memory_space<vmem>>, %arg9: memref<64xi32, #tpu.memory_space<vmem>>, %arg10: memref<64xi32, #tpu.memory_space<vmem>>, %arg11: memref<64xi32, #tpu.memory_space<vmem>>, %arg12: memref<64xi32, #tpu.memory_space<vmem>>, %arg13: memref<64xi32, #tpu.memory_space<vmem>>, %arg14: memref<64xi32, #tpu.memory_space<vmem>>, %arg15: memref<64xi32, #tpu.memory_space<vmem>>, %arg16: memref<64xi32, #tpu.memory_space<vmem>>, %arg17: memref<64xi32, #tpu.memory_space<vmem>>, %arg18: memref<64x128xf32, #tpu.memory_space<vmem>>, %arg19: memref<64x128xf32, #tpu.memory_space<vmem>>, %arg20: memref<64x128xf32, #tpu.memory_space<vmem>>, %arg21: memref<64x128xf32, #tpu.memory_space<vmem>>, %arg22: memref<64x128xf32, #tpu.memory_space<vmem>>, %arg23: memref<!tpu.dma_semaphore, #tpu.memory_space<semaphore_mem>>, %arg24: memref<!tpu.dma_semaphore, #tpu.memory_space<semaphore_mem>>, %arg25: memref<!tpu.dma_semaphore, #tpu.memory_space<semaphore_mem>>, %arg26: memref<!tpu.dma_semaphore, #tpu.memory_space<semaphore_mem>>, %arg27: memref<!tpu.dma_semaphore, #tpu.memory_space<semaphore_mem>>, %arg28: memref<!tpu.dma_semaphore, #tpu.memory_space<semaphore_mem>>, %arg29: memref<!tpu.dma_semaphore, #tpu.memory_space<semaphore_mem>>, %arg30: memref<!tpu.dma_semaphore, #tpu.memory_space<semaphore_mem>>, %arg31: memref<!tpu.dma_semaphore, #tpu.memory_space<semaphore_mem>>, %arg32: memref<!tpu.dma_semaphore, #tpu.memory_space<semaphore_mem>>, %arg33: memref<!tpu.dma_semaphore, #tpu.memory_space<semaphore_mem>>, %arg34: memref<!tpu.dma_semaphore, #tpu.memory_space<semaphore_mem>>, %arg35: memref<!tpu.dma_semaphore, #tpu.memory_space<semaphore_mem>>, %arg36: memref<!tpu.dma_semaphore, #tpu.memory_space<semaphore_mem>>, %arg37: memref<!tpu.dma_semaphore, #tpu.memory_space<semaphore_mem>>, %arg38: memref<!tpu.dma_semaphore, #tpu.memory_space<semaphore_mem>>, %arg39: memref<!tpu.dma_semaphore, #tpu.memory_space<semaphore_mem>>, %arg40: memref<!tpu.dma_semaphore, #tpu.memory_space<semaphore_mem>>, %arg41: memref<!tpu.dma_semaphore, #tpu.memory_space<semaphore_mem>>, %arg42: memref<!tpu.dma_semaphore, #tpu.memory_space<semaphore_mem>>) attributes {dimension_semantics = [#tpu.dimension_semantics<core_parallel>, #tpu.dimension_semantics<subcore_parallel>], iteration_bounds = array<i64: 2, 16>, scalar_prefetch = 0 : i64, scratch_operands = 36 : i64, tpu.core_type = #tpu.core_type<sc_vector_subcore>, window_params = [{transform_indices = #map}, {transform_indices = #map1}, {transform_indices = #map1}, {transform_indices = #map}, {transform_indices = #map2}]} {
    %mul3A = arith.constant 16 : i32
    %mul3A_0 = arith.muli %arg0, %mul3A : i32
    %add3A = arith.addi %mul3A_0, %arg1 : i32
    %mul3A_1 = arith.constant 160 : i32
    %mul3A_2 = arith.muli %add3A, %mul3A_1 : i32
    %mul3A_3 = arith.constant 64 : i32
    %mul3A_4 = arith.muli %mul3A_2, %mul3A_3 : i32
    %mul3A_5 = arith.constant 624 : i32
    %mul3A_6 = arith.muli %arg1, %mul3A_5 : i32
    %mul3A_7 = arith.constant 624 : i32
    %mul3A_8 = arith.muli %arg1, %mul3A_7 : i32
    "tpu.region"() ({
      %run_scoped3A = tpu.sem_alloc : memref<!tpu.dma_semaphore, #tpu.memory_space<semaphore_mem>>
      %dma_start3A_144 = arith.constant 0 : i32
      %dma_start3A_145 = tpu.memref_slice %arg7[%mul3A_8, %dma_start3A_144] : memref<10064x128xf32, #tpu.memory_space<vmem_shared>> -> memref<624x128xf32, #tpu.memory_space<vmem_shared>>
      %dma_start3A_146 = arith.constant 0 : i32
      %dma_start3A_147 = tpu.memref_slice %arg5[%mul3A_6, %dma_start3A_146] : memref<10064x128xf32, #tpu.memory_space<hbm>> -> memref<624x128xf32, #tpu.memory_space<hbm>>
      tpu.enqueue_dma source(%dma_start3A_147 : memref<624x128xf32, #tpu.memory_space<hbm>>) target(%dma_start3A_145 : memref<624x128xf32, #tpu.memory_space<vmem_shared>>) target_semaphore(%run_scoped3A : memref<!tpu.dma_semaphore, #tpu.memory_space<semaphore_mem>>)
      %dma_wait3A_148 = arith.constant 0 : i32
      %dma_wait3A_149 = tpu.memref_slice %arg7[%mul3A_8, %dma_wait3A_148] : memref<10064x128xf32, #tpu.memory_space<vmem_shared>> -> memref<624x128xf32, #tpu.memory_space<vmem_shared>>
      %dma_wait3A_150 = arith.constant 0 : i32
      %dma_wait3A_151 = tpu.memref_slice %arg5[%mul3A_6, %dma_wait3A_150] : memref<10064x128xf32, #tpu.memory_space<hbm>> -> memref<624x128xf32, #tpu.memory_space<hbm>>
      tpu.wait_dma2 semaphore(%run_scoped3A : memref<!tpu.dma_semaphore, #tpu.memory_space<semaphore_mem>>) src(%dma_wait3A_151 : memref<624x128xf32, #tpu.memory_space<hbm>>) dst(%dma_wait3A_149 : memref<624x128xf32, #tpu.memory_space<vmem_shared>>)
      tpu.yield
    }) : () -> ()
    %eq3A = arith.constant 15 : i32
    %eq3A_9 = arith.cmpi eq, %arg1, %eq3A : i32
    %convert_element_type3A = arith.extui %eq3A_9 : i1 to i32
    %cond3A = arith.constant 0 : i32
    %cond3A_10 = arith.cmpi ne, %convert_element_type3A, %cond3A : i32
    scf.if %cond3A_10 {
      "tpu.region"() ({
        %run_scoped3A = tpu.sem_alloc : memref<!tpu.dma_semaphore, #tpu.memory_space<semaphore_mem>>
        %dma_start3A_144 = arith.constant 9984 : i32
        %dma_start3A_145 = arith.constant 0 : i32
        %dma_start3A_146 = tpu.memref_slice %arg7[%dma_start3A_144, %dma_start3A_145] : memref<10064x128xf32, #tpu.memory_space<vmem_shared>> -> memref<80x128xf32, #tpu.memory_space<vmem_shared>>
        %dma_start3A_147 = arith.constant 9984 : i32
        %dma_start3A_148 = arith.constant 0 : i32
        %dma_start3A_149 = tpu.memref_slice %arg5[%dma_start3A_147, %dma_start3A_148] : memref<10064x128xf32, #tpu.memory_space<hbm>> -> memref<80x128xf32, #tpu.memory_space<hbm>>
        tpu.enqueue_dma source(%dma_start3A_149 : memref<80x128xf32, #tpu.memory_space<hbm>>) target(%dma_start3A_146 : memref<80x128xf32, #tpu.memory_space<vmem_shared>>) target_semaphore(%run_scoped3A : memref<!tpu.dma_semaphore, #tpu.memory_space<semaphore_mem>>)
        %dma_wait3A_150 = arith.constant 9984 : i32
        %dma_wait3A_151 = arith.constant 0 : i32
        %dma_wait3A_152 = tpu.memref_slice %arg7[%dma_wait3A_150, %dma_wait3A_151] : memref<10064x128xf32, #tpu.memory_space<vmem_shared>> -> memref<80x128xf32, #tpu.memory_space<vmem_shared>>
        %dma_wait3A_153 = arith.constant 9984 : i32
        %dma_wait3A_154 = arith.constant 0 : i32
        %dma_wait3A_155 = tpu.memref_slice %arg5[%dma_wait3A_153, %dma_wait3A_154] : memref<10064x128xf32, #tpu.memory_space<hbm>> -> memref<80x128xf32, #tpu.memory_space<hbm>>
        tpu.wait_dma2 semaphore(%run_scoped3A : memref<!tpu.dma_semaphore, #tpu.memory_space<semaphore_mem>>) src(%dma_wait3A_155 : memref<80x128xf32, #tpu.memory_space<hbm>>) dst(%dma_wait3A_152 : memref<80x128xf32, #tpu.memory_space<vmem_shared>>)
        tpu.yield
      }) : () -> ()
    } else {
    }
    %barrier3A = arith.constant 0 : index
    tpu.barrier barrier_id(%barrier3A)
    %add3A_11 = arith.constant 0 : i32
    %add3A_12 = arith.addi %mul3A_4, %add3A_11 : i32
    %dma_start3A = tpu.memref_slice %arg3[%add3A_12] : memref<327680xi32, #tpu.memory_space<hbm>> -> memref<64xi32, #tpu.memory_space<hbm>>
    %dma_start3A_13 = tpu.memref_slice %arg3[%add3A_12] : memref<327680xi32, #tpu.memory_space<hbm>> -> memref<64xi32, #tpu.memory_space<hbm>>
    tpu.enqueue_dma source(%dma_start3A_13 : memref<64xi32, #tpu.memory_space<hbm>>) target(%arg8 : memref<64xi32, #tpu.memory_space<vmem>>) target_semaphore(%arg28 : memref<!tpu.dma_semaphore, #tpu.memory_space<semaphore_mem>>)
    %add3A_14 = arith.constant 0 : i32
    %add3A_15 = arith.addi %mul3A_4, %add3A_14 : i32
    %dma_start3A_16 = tpu.memref_slice %arg4[%add3A_15] : memref<327680xi32, #tpu.memory_space<hbm>> -> memref<64xi32, #tpu.memory_space<hbm>>
    %dma_start3A_17 = tpu.memref_slice %arg4[%add3A_15] : memref<327680xi32, #tpu.memory_space<hbm>> -> memref<64xi32, #tpu.memory_space<hbm>>
    tpu.enqueue_dma source(%dma_start3A_17 : memref<64xi32, #tpu.memory_space<hbm>>) target(%arg13 : memref<64xi32, #tpu.memory_space<vmem>>) target_semaphore(%arg33 : memref<!tpu.dma_semaphore, #tpu.memory_space<semaphore_mem>>)
    %add3A_18 = arith.constant 64 : i32
    %add3A_19 = arith.addi %mul3A_4, %add3A_18 : i32
    %dma_start3A_20 = tpu.memref_slice %arg3[%add3A_19] : memref<327680xi32, #tpu.memory_space<hbm>> -> memref<64xi32, #tpu.memory_space<hbm>>
    %dma_start3A_21 = tpu.memref_slice %arg3[%add3A_19] : memref<327680xi32, #tpu.memory_space<hbm>> -> memref<64xi32, #tpu.memory_space<hbm>>
    tpu.enqueue_dma source(%dma_start3A_21 : memref<64xi32, #tpu.memory_space<hbm>>) target(%arg9 : memref<64xi32, #tpu.memory_space<vmem>>) target_semaphore(%arg29 : memref<!tpu.dma_semaphore, #tpu.memory_space<semaphore_mem>>)
    %add3A_22 = arith.constant 64 : i32
    %add3A_23 = arith.addi %mul3A_4, %add3A_22 : i32
    %dma_start3A_24 = tpu.memref_slice %arg4[%add3A_23] : memref<327680xi32, #tpu.memory_space<hbm>> -> memref<64xi32, #tpu.memory_space<hbm>>
    %dma_start3A_25 = tpu.memref_slice %arg4[%add3A_23] : memref<327680xi32, #tpu.memory_space<hbm>> -> memref<64xi32, #tpu.memory_space<hbm>>
    tpu.enqueue_dma source(%dma_start3A_25 : memref<64xi32, #tpu.memory_space<hbm>>) target(%arg14 : memref<64xi32, #tpu.memory_space<vmem>>) target_semaphore(%arg34 : memref<!tpu.dma_semaphore, #tpu.memory_space<semaphore_mem>>)
    %add3A_26 = arith.constant 128 : i32
    %add3A_27 = arith.addi %mul3A_4, %add3A_26 : i32
    %dma_start3A_28 = tpu.memref_slice %arg3[%add3A_27] : memref<327680xi32, #tpu.memory_space<hbm>> -> memref<64xi32, #tpu.memory_space<hbm>>
    %dma_start3A_29 = tpu.memref_slice %arg3[%add3A_27] : memref<327680xi32, #tpu.memory_space<hbm>> -> memref<64xi32, #tpu.memory_space<hbm>>
    tpu.enqueue_dma source(%dma_start3A_29 : memref<64xi32, #tpu.memory_space<hbm>>) target(%arg10 : memref<64xi32, #tpu.memory_space<vmem>>) target_semaphore(%arg30 : memref<!tpu.dma_semaphore, #tpu.memory_space<semaphore_mem>>)
    %add3A_30 = arith.constant 128 : i32
    %add3A_31 = arith.addi %mul3A_4, %add3A_30 : i32
    %dma_start3A_32 = tpu.memref_slice %arg4[%add3A_31] : memref<327680xi32, #tpu.memory_space<hbm>> -> memref<64xi32, #tpu.memory_space<hbm>>
    %dma_start3A_33 = tpu.memref_slice %arg4[%add3A_31] : memref<327680xi32, #tpu.memory_space<hbm>> -> memref<64xi32, #tpu.memory_space<hbm>>
    tpu.enqueue_dma source(%dma_start3A_33 : memref<64xi32, #tpu.memory_space<hbm>>) target(%arg15 : memref<64xi32, #tpu.memory_space<vmem>>) target_semaphore(%arg35 : memref<!tpu.dma_semaphore, #tpu.memory_space<semaphore_mem>>)
    %add3A_34 = arith.constant 192 : i32
    %add3A_35 = arith.addi %mul3A_4, %add3A_34 : i32
    %dma_start3A_36 = tpu.memref_slice %arg3[%add3A_35] : memref<327680xi32, #tpu.memory_space<hbm>> -> memref<64xi32, #tpu.memory_space<hbm>>
    %dma_start3A_37 = tpu.memref_slice %arg3[%add3A_35] : memref<327680xi32, #tpu.memory_space<hbm>> -> memref<64xi32, #tpu.memory_space<hbm>>
    tpu.enqueue_dma source(%dma_start3A_37 : memref<64xi32, #tpu.memory_space<hbm>>) target(%arg11 : memref<64xi32, #tpu.memory_space<vmem>>) target_semaphore(%arg31 : memref<!tpu.dma_semaphore, #tpu.memory_space<semaphore_mem>>)
    %add3A_38 = arith.constant 192 : i32
    %add3A_39 = arith.addi %mul3A_4, %add3A_38 : i32
    %dma_start3A_40 = tpu.memref_slice %arg4[%add3A_39] : memref<327680xi32, #tpu.memory_space<hbm>> -> memref<64xi32, #tpu.memory_space<hbm>>
    %dma_start3A_41 = tpu.memref_slice %arg4[%add3A_39] : memref<327680xi32, #tpu.memory_space<hbm>> -> memref<64xi32, #tpu.memory_space<hbm>>
    tpu.enqueue_dma source(%dma_start3A_41 : memref<64xi32, #tpu.memory_space<hbm>>) target(%arg16 : memref<64xi32, #tpu.memory_space<vmem>>) target_semaphore(%arg36 : memref<!tpu.dma_semaphore, #tpu.memory_space<semaphore_mem>>)
    %add3A_42 = arith.constant 256 : i32
    %add3A_43 = arith.addi %mul3A_4, %add3A_42 : i32
    %dma_start3A_44 = tpu.memref_slice %arg3[%add3A_43] : memref<327680xi32, #tpu.memory_space<hbm>> -> memref<64xi32, #tpu.memory_space<hbm>>
    %dma_start3A_45 = tpu.memref_slice %arg3[%add3A_43] : memref<327680xi32, #tpu.memory_space<hbm>> -> memref<64xi32, #tpu.memory_space<hbm>>
    tpu.enqueue_dma source(%dma_start3A_45 : memref<64xi32, #tpu.memory_space<hbm>>) target(%arg12 : memref<64xi32, #tpu.memory_space<vmem>>) target_semaphore(%arg32 : memref<!tpu.dma_semaphore, #tpu.memory_space<semaphore_mem>>)
    %add3A_46 = arith.constant 256 : i32
    %add3A_47 = arith.addi %mul3A_4, %add3A_46 : i32
    %dma_start3A_48 = tpu.memref_slice %arg4[%add3A_47] : memref<327680xi32, #tpu.memory_space<hbm>> -> memref<64xi32, #tpu.memory_space<hbm>>
    %dma_start3A_49 = tpu.memref_slice %arg4[%add3A_47] : memref<327680xi32, #tpu.memory_space<hbm>> -> memref<64xi32, #tpu.memory_space<hbm>>
    tpu.enqueue_dma source(%dma_start3A_49 : memref<64xi32, #tpu.memory_space<hbm>>) target(%arg17 : memref<64xi32, #tpu.memory_space<vmem>>) target_semaphore(%arg37 : memref<!tpu.dma_semaphore, #tpu.memory_space<semaphore_mem>>)
    %dma_wait3A = tpu.memref_slice %arg3[%mul3A_4] : memref<327680xi32, #tpu.memory_space<hbm>> -> memref<64xi32, #tpu.memory_space<hbm>>
    %dma_wait3A_50 = tpu.memref_slice %arg3[%mul3A_4] : memref<327680xi32, #tpu.memory_space<hbm>> -> memref<64xi32, #tpu.memory_space<hbm>>
    tpu.wait_dma2 semaphore(%arg28 : memref<!tpu.dma_semaphore, #tpu.memory_space<semaphore_mem>>) src(%dma_wait3A_50 : memref<64xi32, #tpu.memory_space<hbm>>) dst(%arg8 : memref<64xi32, #tpu.memory_space<vmem>>)
    %dma_start3A_51 = arith.constant 0 : i32
    %dma_start3A_52 = arith.constant 0 : i32
    %dma_start3A_53 = tpu.memref_slice %arg2[%dma_start3A_51, %dma_start3A_52] : memref<10000x128xf32, #tpu.memory_space<hbm>> -> memref<10000x128xf32, #tpu.memory_space<hbm>>
    tpu.enqueue_indirect_dma source(%dma_start3A_53 : memref<10000x128xf32, #tpu.memory_space<hbm>>) target(%arg18 : memref<64x128xf32, #tpu.memory_space<vmem>>) offsets(%arg8 : memref<64xi32, #tpu.memory_space<vmem>>) semaphore(%arg23 : memref<!tpu.dma_semaphore, #tpu.memory_space<semaphore_mem>>)
    %dma_wait3A_54 = tpu.memref_slice %arg3[%mul3A_4] : memref<327680xi32, #tpu.memory_space<hbm>> -> memref<64xi32, #tpu.memory_space<hbm>>
    %dma_wait3A_55 = tpu.memref_slice %arg3[%mul3A_4] : memref<327680xi32, #tpu.memory_space<hbm>> -> memref<64xi32, #tpu.memory_space<hbm>>
    tpu.wait_dma2 semaphore(%arg29 : memref<!tpu.dma_semaphore, #tpu.memory_space<semaphore_mem>>) src(%dma_wait3A_55 : memref<64xi32, #tpu.memory_space<hbm>>) dst(%arg9 : memref<64xi32, #tpu.memory_space<vmem>>)
    %dma_start3A_56 = arith.constant 0 : i32
    %dma_start3A_57 = arith.constant 0 : i32
    %dma_start3A_58 = tpu.memref_slice %arg2[%dma_start3A_56, %dma_start3A_57] : memref<10000x128xf32, #tpu.memory_space<hbm>> -> memref<10000x128xf32, #tpu.memory_space<hbm>>
    tpu.enqueue_indirect_dma source(%dma_start3A_58 : memref<10000x128xf32, #tpu.memory_space<hbm>>) target(%arg19 : memref<64x128xf32, #tpu.memory_space<vmem>>) offsets(%arg9 : memref<64xi32, #tpu.memory_space<vmem>>) semaphore(%arg24 : memref<!tpu.dma_semaphore, #tpu.memory_space<semaphore_mem>>)
    %dma_wait3A_59 = tpu.memref_slice %arg3[%mul3A_4] : memref<327680xi32, #tpu.memory_space<hbm>> -> memref<64xi32, #tpu.memory_space<hbm>>
    %dma_wait3A_60 = tpu.memref_slice %arg3[%mul3A_4] : memref<327680xi32, #tpu.memory_space<hbm>> -> memref<64xi32, #tpu.memory_space<hbm>>
    tpu.wait_dma2 semaphore(%arg30 : memref<!tpu.dma_semaphore, #tpu.memory_space<semaphore_mem>>) src(%dma_wait3A_60 : memref<64xi32, #tpu.memory_space<hbm>>) dst(%arg10 : memref<64xi32, #tpu.memory_space<vmem>>)
    %dma_start3A_61 = arith.constant 0 : i32
    %dma_start3A_62 = arith.constant 0 : i32
    %dma_start3A_63 = tpu.memref_slice %arg2[%dma_start3A_61, %dma_start3A_62] : memref<10000x128xf32, #tpu.memory_space<hbm>> -> memref<10000x128xf32, #tpu.memory_space<hbm>>
    tpu.enqueue_indirect_dma source(%dma_start3A_63 : memref<10000x128xf32, #tpu.memory_space<hbm>>) target(%arg20 : memref<64x128xf32, #tpu.memory_space<vmem>>) offsets(%arg10 : memref<64xi32, #tpu.memory_space<vmem>>) semaphore(%arg25 : memref<!tpu.dma_semaphore, #tpu.memory_space<semaphore_mem>>)
    %dma_wait3A_64 = tpu.memref_slice %arg3[%mul3A_4] : memref<327680xi32, #tpu.memory_space<hbm>> -> memref<64xi32, #tpu.memory_space<hbm>>
    %dma_wait3A_65 = tpu.memref_slice %arg3[%mul3A_4] : memref<327680xi32, #tpu.memory_space<hbm>> -> memref<64xi32, #tpu.memory_space<hbm>>
    tpu.wait_dma2 semaphore(%arg31 : memref<!tpu.dma_semaphore, #tpu.memory_space<semaphore_mem>>) src(%dma_wait3A_65 : memref<64xi32, #tpu.memory_space<hbm>>) dst(%arg11 : memref<64xi32, #tpu.memory_space<vmem>>)
    %dma_start3A_66 = arith.constant 0 : i32
    %dma_start3A_67 = arith.constant 0 : i32
    %dma_start3A_68 = tpu.memref_slice %arg2[%dma_start3A_66, %dma_start3A_67] : memref<10000x128xf32, #tpu.memory_space<hbm>> -> memref<10000x128xf32, #tpu.memory_space<hbm>>
    tpu.enqueue_indirect_dma source(%dma_start3A_68 : memref<10000x128xf32, #tpu.memory_space<hbm>>) target(%arg21 : memref<64x128xf32, #tpu.memory_space<vmem>>) offsets(%arg11 : memref<64xi32, #tpu.memory_space<vmem>>) semaphore(%arg26 : memref<!tpu.dma_semaphore, #tpu.memory_space<semaphore_mem>>)
    %dma_wait3A_69 = tpu.memref_slice %arg3[%mul3A_4] : memref<327680xi32, #tpu.memory_space<hbm>> -> memref<64xi32, #tpu.memory_space<hbm>>
    %dma_wait3A_70 = tpu.memref_slice %arg3[%mul3A_4] : memref<327680xi32, #tpu.memory_space<hbm>> -> memref<64xi32, #tpu.memory_space<hbm>>
    tpu.wait_dma2 semaphore(%arg32 : memref<!tpu.dma_semaphore, #tpu.memory_space<semaphore_mem>>) src(%dma_wait3A_70 : memref<64xi32, #tpu.memory_space<hbm>>) dst(%arg12 : memref<64xi32, #tpu.memory_space<vmem>>)
    %dma_start3A_71 = arith.constant 0 : i32
    %dma_start3A_72 = arith.constant 0 : i32
    %dma_start3A_73 = tpu.memref_slice %arg2[%dma_start3A_71, %dma_start3A_72] : memref<10000x128xf32, #tpu.memory_space<hbm>> -> memref<10000x128xf32, #tpu.memory_space<hbm>>
    tpu.enqueue_indirect_dma source(%dma_start3A_73 : memref<10000x128xf32, #tpu.memory_space<hbm>>) target(%arg22 : memref<64x128xf32, #tpu.memory_space<vmem>>) offsets(%arg12 : memref<64xi32, #tpu.memory_space<vmem>>) semaphore(%arg27 : memref<!tpu.dma_semaphore, #tpu.memory_space<semaphore_mem>>)
    %scan3A = arith.constant 0 : i32
    %scan3A_74 = arith.constant 0 : i32
    %scan3A_75 = arith.constant 31 : i32
    %scan3A_76 = arith.addi %scan3A_74, %scan3A_75 : i32
    %scan3A_77 = arith.constant 1 : i32
    scf.for %scan3A_144 = %scan3A_74 to %scan3A_76 step %scan3A_77  : i32 {
      %dma_wait3A_145 = arith.constant 0 : i32
      %dma_wait3A_146 = arith.constant 0 : i32
      %dma_wait3A_147 = tpu.memref_slice %arg2[%dma_wait3A_145, %dma_wait3A_146] : memref<10000x128xf32, #tpu.memory_space<hbm>> -> memref<10000x128xf32, #tpu.memory_space<hbm>>
      tpu.wait_indirect_dma semaphore(%arg23 : memref<!tpu.dma_semaphore, #tpu.memory_space<semaphore_mem>>) src(%dma_wait3A_147 : memref<10000x128xf32, #tpu.memory_space<hbm>>) dst(%arg18 : memref<64x128xf32, #tpu.memory_space<vmem>>)
      %mul3A_148 = arith.constant 5 : i32
      %mul3A_149 = arith.muli %mul3A_148, %scan3A_144 : i32
      %add3A_150 = arith.constant 5 : i32
      %add3A_151 = arith.addi %mul3A_149, %add3A_150 : i32
      %add3A_152 = arith.constant 0 : i32
      %add3A_153 = arith.addi %add3A_151, %add3A_152 : i32
      %mul3A_154 = arith.constant 64 : i32
      %mul3A_155 = arith.muli %add3A_153, %mul3A_154 : i32
      %add3A_156 = arith.addi %mul3A_4, %mul3A_155 : i32
      %dma_start3A_157 = tpu.memref_slice %arg3[%add3A_156] : memref<327680xi32, #tpu.memory_space<hbm>> -> memref<64xi32, #tpu.memory_space<hbm>>
      %dma_start3A_158 = tpu.memref_slice %arg3[%add3A_156] : memref<327680xi32, #tpu.memory_space<hbm>> -> memref<64xi32, #tpu.memory_space<hbm>>
      tpu.enqueue_dma source(%dma_start3A_158 : memref<64xi32, #tpu.memory_space<hbm>>) target(%arg8 : memref<64xi32, #tpu.memory_space<vmem>>) target_semaphore(%arg28 : memref<!tpu.dma_semaphore, #tpu.memory_space<semaphore_mem>>)
      %dma_wait3A_159 = tpu.memref_slice %arg4[%mul3A_4] : memref<327680xi32, #tpu.memory_space<hbm>> -> memref<64xi32, #tpu.memory_space<hbm>>
      %dma_wait3A_160 = tpu.memref_slice %arg4[%mul3A_4] : memref<327680xi32, #tpu.memory_space<hbm>> -> memref<64xi32, #tpu.memory_space<hbm>>
      tpu.wait_dma2 semaphore(%arg33 : memref<!tpu.dma_semaphore, #tpu.memory_space<semaphore_mem>>) src(%dma_wait3A_160 : memref<64xi32, #tpu.memory_space<hbm>>) dst(%arg13 : memref<64xi32, #tpu.memory_space<vmem>>)
      %dma_start3A_161 = arith.constant 0 : i32
      %dma_start3A_162 = arith.constant 0 : i32
      %dma_start3A_163 = tpu.memref_slice %arg7[%dma_start3A_161, %dma_start3A_162] : memref<10064x128xf32, #tpu.memory_space<vmem_shared>> -> memref<10064x128xf32, #tpu.memory_space<vmem_shared>>
      tpu.enqueue_indirect_dma source(%arg18 : memref<64x128xf32, #tpu.memory_space<vmem>>) target(%dma_start3A_163 : memref<10064x128xf32, #tpu.memory_space<vmem_shared>>) offsets(%arg13 : memref<64xi32, #tpu.memory_space<vmem>>) semaphore(%arg38 : memref<!tpu.dma_semaphore, #tpu.memory_space<semaphore_mem>>) {add = true}
      %dma_wait3A_164 = arith.constant 0 : i32
      %dma_wait3A_165 = arith.constant 0 : i32
      %dma_wait3A_166 = tpu.memref_slice %arg2[%dma_wait3A_164, %dma_wait3A_165] : memref<10000x128xf32, #tpu.memory_space<hbm>> -> memref<10000x128xf32, #tpu.memory_space<hbm>>
      tpu.wait_indirect_dma semaphore(%arg24 : memref<!tpu.dma_semaphore, #tpu.memory_space<semaphore_mem>>) src(%dma_wait3A_166 : memref<10000x128xf32, #tpu.memory_space<hbm>>) dst(%arg19 : memref<64x128xf32, #tpu.memory_space<vmem>>)
      %mul3A_167 = arith.constant 5 : i32
      %mul3A_168 = arith.muli %mul3A_167, %scan3A_144 : i32
      %add3A_169 = arith.constant 5 : i32
      %add3A_170 = arith.addi %mul3A_168, %add3A_169 : i32
      %add3A_171 = arith.constant 1 : i32
      %add3A_172 = arith.addi %add3A_170, %add3A_171 : i32
      %mul3A_173 = arith.constant 64 : i32
      %mul3A_174 = arith.muli %add3A_172, %mul3A_173 : i32
      %add3A_175 = arith.addi %mul3A_4, %mul3A_174 : i32
      %dma_start3A_176 = tpu.memref_slice %arg3[%add3A_175] : memref<327680xi32, #tpu.memory_space<hbm>> -> memref<64xi32, #tpu.memory_space<hbm>>
      %dma_start3A_177 = tpu.memref_slice %arg3[%add3A_175] : memref<327680xi32, #tpu.memory_space<hbm>> -> memref<64xi32, #tpu.memory_space<hbm>>
      tpu.enqueue_dma source(%dma_start3A_177 : memref<64xi32, #tpu.memory_space<hbm>>) target(%arg9 : memref<64xi32, #tpu.memory_space<vmem>>) target_semaphore(%arg29 : memref<!tpu.dma_semaphore, #tpu.memory_space<semaphore_mem>>)
      %dma_wait3A_178 = tpu.memref_slice %arg4[%mul3A_4] : memref<327680xi32, #tpu.memory_space<hbm>> -> memref<64xi32, #tpu.memory_space<hbm>>
      %dma_wait3A_179 = tpu.memref_slice %arg4[%mul3A_4] : memref<327680xi32, #tpu.memory_space<hbm>> -> memref<64xi32, #tpu.memory_space<hbm>>
      tpu.wait_dma2 semaphore(%arg34 : memref<!tpu.dma_semaphore, #tpu.memory_space<semaphore_mem>>) src(%dma_wait3A_179 : memref<64xi32, #tpu.memory_space<hbm>>) dst(%arg14 : memref<64xi32, #tpu.memory_space<vmem>>)
      %dma_start3A_180 = arith.constant 0 : i32
      %dma_start3A_181 = arith.constant 0 : i32
      %dma_start3A_182 = tpu.memref_slice %arg7[%dma_start3A_180, %dma_start3A_181] : memref<10064x128xf32, #tpu.memory_space<vmem_shared>> -> memref<10064x128xf32, #tpu.memory_space<vmem_shared>>
      tpu.enqueue_indirect_dma source(%arg19 : memref<64x128xf32, #tpu.memory_space<vmem>>) target(%dma_start3A_182 : memref<10064x128xf32, #tpu.memory_space<vmem_shared>>) offsets(%arg14 : memref<64xi32, #tpu.memory_space<vmem>>) semaphore(%arg39 : memref<!tpu.dma_semaphore, #tpu.memory_space<semaphore_mem>>) {add = true}
      %dma_wait3A_183 = arith.constant 0 : i32
      %dma_wait3A_184 = arith.constant 0 : i32
      %dma_wait3A_185 = tpu.memref_slice %arg2[%dma_wait3A_183, %dma_wait3A_184] : memref<10000x128xf32, #tpu.memory_space<hbm>> -> memref<10000x128xf32, #tpu.memory_space<hbm>>
      tpu.wait_indirect_dma semaphore(%arg25 : memref<!tpu.dma_semaphore, #tpu.memory_space<semaphore_mem>>) src(%dma_wait3A_185 : memref<10000x128xf32, #tpu.memory_space<hbm>>) dst(%arg20 : memref<64x128xf32, #tpu.memory_space<vmem>>)
      %mul3A_186 = arith.constant 5 : i32
      %mul3A_187 = arith.muli %mul3A_186, %scan3A_144 : i32
      %add3A_188 = arith.constant 5 : i32
      %add3A_189 = arith.addi %mul3A_187, %add3A_188 : i32
      %add3A_190 = arith.constant 2 : i32
      %add3A_191 = arith.addi %add3A_189, %add3A_190 : i32
      %mul3A_192 = arith.constant 64 : i32
      %mul3A_193 = arith.muli %add3A_191, %mul3A_192 : i32
      %add3A_194 = arith.addi %mul3A_4, %mul3A_193 : i32
      %dma_start3A_195 = tpu.memref_slice %arg3[%add3A_194] : memref<327680xi32, #tpu.memory_space<hbm>> -> memref<64xi32, #tpu.memory_space<hbm>>
      %dma_start3A_196 = tpu.memref_slice %arg3[%add3A_194] : memref<327680xi32, #tpu.memory_space<hbm>> -> memref<64xi32, #tpu.memory_space<hbm>>
      tpu.enqueue_dma source(%dma_start3A_196 : memref<64xi32, #tpu.memory_space<hbm>>) target(%arg10 : memref<64xi32, #tpu.memory_space<vmem>>) target_semaphore(%arg30 : memref<!tpu.dma_semaphore, #tpu.memory_space<semaphore_mem>>)
      %dma_wait3A_197 = tpu.memref_slice %arg4[%mul3A_4] : memref<327680xi32, #tpu.memory_space<hbm>> -> memref<64xi32, #tpu.memory_space<hbm>>
      %dma_wait3A_198 = tpu.memref_slice %arg4[%mul3A_4] : memref<327680xi32, #tpu.memory_space<hbm>> -> memref<64xi32, #tpu.memory_space<hbm>>
      tpu.wait_dma2 semaphore(%arg35 : memref<!tpu.dma_semaphore, #tpu.memory_space<semaphore_mem>>) src(%dma_wait3A_198 : memref<64xi32, #tpu.memory_space<hbm>>) dst(%arg15 : memref<64xi32, #tpu.memory_space<vmem>>)
      %dma_start3A_199 = arith.constant 0 : i32
      %dma_start3A_200 = arith.constant 0 : i32
      %dma_start3A_201 = tpu.memref_slice %arg7[%dma_start3A_199, %dma_start3A_200] : memref<10064x128xf32, #tpu.memory_space<vmem_shared>> -> memref<10064x128xf32, #tpu.memory_space<vmem_shared>>
      tpu.enqueue_indirect_dma source(%arg20 : memref<64x128xf32, #tpu.memory_space<vmem>>) target(%dma_start3A_201 : memref<10064x128xf32, #tpu.memory_space<vmem_shared>>) offsets(%arg15 : memref<64xi32, #tpu.memory_space<vmem>>) semaphore(%arg40 : memref<!tpu.dma_semaphore, #tpu.memory_space<semaphore_mem>>) {add = true}
      %dma_wait3A_202 = arith.constant 0 : i32
      %dma_wait3A_203 = arith.constant 0 : i32
      %dma_wait3A_204 = tpu.memref_slice %arg2[%dma_wait3A_202, %dma_wait3A_203] : memref<10000x128xf32, #tpu.memory_space<hbm>> -> memref<10000x128xf32, #tpu.memory_space<hbm>>
      tpu.wait_indirect_dma semaphore(%arg26 : memref<!tpu.dma_semaphore, #tpu.memory_space<semaphore_mem>>) src(%dma_wait3A_204 : memref<10000x128xf32, #tpu.memory_space<hbm>>) dst(%arg21 : memref<64x128xf32, #tpu.memory_space<vmem>>)
      %mul3A_205 = arith.constant 5 : i32
      %mul3A_206 = arith.muli %mul3A_205, %scan3A_144 : i32
      %add3A_207 = arith.constant 5 : i32
      %add3A_208 = arith.addi %mul3A_206, %add3A_207 : i32
      %add3A_209 = arith.constant 3 : i32
      %add3A_210 = arith.addi %add3A_208, %add3A_209 : i32
      %mul3A_211 = arith.constant 64 : i32
      %mul3A_212 = arith.muli %add3A_210, %mul3A_211 : i32
      %add3A_213 = arith.addi %mul3A_4, %mul3A_212 : i32
      %dma_start3A_214 = tpu.memref_slice %arg3[%add3A_213] : memref<327680xi32, #tpu.memory_space<hbm>> -> memref<64xi32, #tpu.memory_space<hbm>>
      %dma_start3A_215 = tpu.memref_slice %arg3[%add3A_213] : memref<327680xi32, #tpu.memory_space<hbm>> -> memref<64xi32, #tpu.memory_space<hbm>>
      tpu.enqueue_dma source(%dma_start3A_215 : memref<64xi32, #tpu.memory_space<hbm>>) target(%arg11 : memref<64xi32, #tpu.memory_space<vmem>>) target_semaphore(%arg31 : memref<!tpu.dma_semaphore, #tpu.memory_space<semaphore_mem>>)
      %dma_wait3A_216 = tpu.memref_slice %arg4[%mul3A_4] : memref<327680xi32, #tpu.memory_space<hbm>> -> memref<64xi32, #tpu.memory_space<hbm>>
      %dma_wait3A_217 = tpu.memref_slice %arg4[%mul3A_4] : memref<327680xi32, #tpu.memory_space<hbm>> -> memref<64xi32, #tpu.memory_space<hbm>>
      tpu.wait_dma2 semaphore(%arg36 : memref<!tpu.dma_semaphore, #tpu.memory_space<semaphore_mem>>) src(%dma_wait3A_217 : memref<64xi32, #tpu.memory_space<hbm>>) dst(%arg16 : memref<64xi32, #tpu.memory_space<vmem>>)
      %dma_start3A_218 = arith.constant 0 : i32
      %dma_start3A_219 = arith.constant 0 : i32
      %dma_start3A_220 = tpu.memref_slice %arg7[%dma_start3A_218, %dma_start3A_219] : memref<10064x128xf32, #tpu.memory_space<vmem_shared>> -> memref<10064x128xf32, #tpu.memory_space<vmem_shared>>
      tpu.enqueue_indirect_dma source(%arg21 : memref<64x128xf32, #tpu.memory_space<vmem>>) target(%dma_start3A_220 : memref<10064x128xf32, #tpu.memory_space<vmem_shared>>) offsets(%arg16 : memref<64xi32, #tpu.memory_space<vmem>>) semaphore(%arg41 : memref<!tpu.dma_semaphore, #tpu.memory_space<semaphore_mem>>) {add = true}
      %dma_wait3A_221 = arith.constant 0 : i32
      %dma_wait3A_222 = arith.constant 0 : i32
      %dma_wait3A_223 = tpu.memref_slice %arg2[%dma_wait3A_221, %dma_wait3A_222] : memref<10000x128xf32, #tpu.memory_space<hbm>> -> memref<10000x128xf32, #tpu.memory_space<hbm>>
      tpu.wait_indirect_dma semaphore(%arg27 : memref<!tpu.dma_semaphore, #tpu.memory_space<semaphore_mem>>) src(%dma_wait3A_223 : memref<10000x128xf32, #tpu.memory_space<hbm>>) dst(%arg22 : memref<64x128xf32, #tpu.memory_space<vmem>>)
      %mul3A_224 = arith.constant 5 : i32
      %mul3A_225 = arith.muli %mul3A_224, %scan3A_144 : i32
      %add3A_226 = arith.constant 5 : i32
      %add3A_227 = arith.addi %mul3A_225, %add3A_226 : i32
      %add3A_228 = arith.constant 4 : i32
      %add3A_229 = arith.addi %add3A_227, %add3A_228 : i32
      %mul3A_230 = arith.constant 64 : i32
      %mul3A_231 = arith.muli %add3A_229, %mul3A_230 : i32
      %add3A_232 = arith.addi %mul3A_4, %mul3A_231 : i32
      %dma_start3A_233 = tpu.memref_slice %arg3[%add3A_232] : memref<327680xi32, #tpu.memory_space<hbm>> -> memref<64xi32, #tpu.memory_space<hbm>>
      %dma_start3A_234 = tpu.memref_slice %arg3[%add3A_232] : memref<327680xi32, #tpu.memory_space<hbm>> -> memref<64xi32, #tpu.memory_space<hbm>>
      tpu.enqueue_dma source(%dma_start3A_234 : memref<64xi32, #tpu.memory_space<hbm>>) target(%arg12 : memref<64xi32, #tpu.memory_space<vmem>>) target_semaphore(%arg32 : memref<!tpu.dma_semaphore, #tpu.memory_space<semaphore_mem>>)
      %dma_wait3A_235 = tpu.memref_slice %arg4[%mul3A_4] : memref<327680xi32, #tpu.memory_space<hbm>> -> memref<64xi32, #tpu.memory_space<hbm>>
      %dma_wait3A_236 = tpu.memref_slice %arg4[%mul3A_4] : memref<327680xi32, #tpu.memory_space<hbm>> -> memref<64xi32, #tpu.memory_space<hbm>>
      tpu.wait_dma2 semaphore(%arg37 : memref<!tpu.dma_semaphore, #tpu.memory_space<semaphore_mem>>) src(%dma_wait3A_236 : memref<64xi32, #tpu.memory_space<hbm>>) dst(%arg17 : memref<64xi32, #tpu.memory_space<vmem>>)
      %dma_start3A_237 = arith.constant 0 : i32
      %dma_start3A_238 = arith.constant 0 : i32
      %dma_start3A_239 = tpu.memref_slice %arg7[%dma_start3A_237, %dma_start3A_238] : memref<10064x128xf32, #tpu.memory_space<vmem_shared>> -> memref<10064x128xf32, #tpu.memory_space<vmem_shared>>
      tpu.enqueue_indirect_dma source(%arg22 : memref<64x128xf32, #tpu.memory_space<vmem>>) target(%dma_start3A_239 : memref<10064x128xf32, #tpu.memory_space<vmem_shared>>) offsets(%arg17 : memref<64xi32, #tpu.memory_space<vmem>>) semaphore(%arg42 : memref<!tpu.dma_semaphore, #tpu.memory_space<semaphore_mem>>) {add = true}
      %dma_wait3A_240 = tpu.memref_slice %arg3[%mul3A_4] : memref<327680xi32, #tpu.memory_space<hbm>> -> memref<64xi32, #tpu.memory_space<hbm>>
      %dma_wait3A_241 = tpu.memref_slice %arg3[%mul3A_4] : memref<327680xi32, #tpu.memory_space<hbm>> -> memref<64xi32, #tpu.memory_space<hbm>>
      tpu.wait_dma2 semaphore(%arg28 : memref<!tpu.dma_semaphore, #tpu.memory_space<semaphore_mem>>) src(%dma_wait3A_241 : memref<64xi32, #tpu.memory_space<hbm>>) dst(%arg8 : memref<64xi32, #tpu.memory_space<vmem>>)
      %dma_wait3A_242 = arith.constant 0 : i32
      %dma_wait3A_243 = arith.constant 0 : i32
      %dma_wait3A_244 = tpu.memref_slice %arg7[%dma_wait3A_242, %dma_wait3A_243] : memref<10064x128xf32, #tpu.memory_space<vmem_shared>> -> memref<10064x128xf32, #tpu.memory_space<vmem_shared>>
      tpu.wait_indirect_dma semaphore(%arg38 : memref<!tpu.dma_semaphore, #tpu.memory_space<semaphore_mem>>) src(%arg18 : memref<64x128xf32, #tpu.memory_space<vmem>>) dst(%dma_wait3A_244 : memref<10064x128xf32, #tpu.memory_space<vmem_shared>>)
      %dma_start3A_245 = arith.constant 0 : i32
      %dma_start3A_246 = arith.constant 0 : i32
      %dma_start3A_247 = tpu.memref_slice %arg2[%dma_start3A_245, %dma_start3A_246] : memref<10000x128xf32, #tpu.memory_space<hbm>> -> memref<10000x128xf32, #tpu.memory_space<hbm>>
      tpu.enqueue_indirect_dma source(%dma_start3A_247 : memref<10000x128xf32, #tpu.memory_space<hbm>>) target(%arg18 : memref<64x128xf32, #tpu.memory_space<vmem>>) offsets(%arg8 : memref<64xi32, #tpu.memory_space<vmem>>) semaphore(%arg23 : memref<!tpu.dma_semaphore, #tpu.memory_space<semaphore_mem>>)
      %mul3A_248 = arith.constant 5 : i32
      %mul3A_249 = arith.muli %mul3A_248, %scan3A_144 : i32
      %add3A_250 = arith.constant 5 : i32
      %add3A_251 = arith.addi %mul3A_249, %add3A_250 : i32
      %add3A_252 = arith.constant 0 : i32
      %add3A_253 = arith.addi %add3A_251, %add3A_252 : i32
      %mul3A_254 = arith.constant 64 : i32
      %mul3A_255 = arith.muli %add3A_253, %mul3A_254 : i32
      %add3A_256 = arith.addi %mul3A_4, %mul3A_255 : i32
      %dma_start3A_257 = tpu.memref_slice %arg4[%add3A_256] : memref<327680xi32, #tpu.memory_space<hbm>> -> memref<64xi32, #tpu.memory_space<hbm>>
      %dma_start3A_258 = tpu.memref_slice %arg4[%add3A_256] : memref<327680xi32, #tpu.memory_space<hbm>> -> memref<64xi32, #tpu.memory_space<hbm>>
      tpu.enqueue_dma source(%dma_start3A_258 : memref<64xi32, #tpu.memory_space<hbm>>) target(%arg13 : memref<64xi32, #tpu.memory_space<vmem>>) target_semaphore(%arg33 : memref<!tpu.dma_semaphore, #tpu.memory_space<semaphore_mem>>)
      %dma_wait3A_259 = tpu.memref_slice %arg3[%mul3A_4] : memref<327680xi32, #tpu.memory_space<hbm>> -> memref<64xi32, #tpu.memory_space<hbm>>
      %dma_wait3A_260 = tpu.memref_slice %arg3[%mul3A_4] : memref<327680xi32, #tpu.memory_space<hbm>> -> memref<64xi32, #tpu.memory_space<hbm>>
      tpu.wait_dma2 semaphore(%arg29 : memref<!tpu.dma_semaphore, #tpu.memory_space<semaphore_mem>>) src(%dma_wait3A_260 : memref<64xi32, #tpu.memory_space<hbm>>) dst(%arg9 : memref<64xi32, #tpu.memory_space<vmem>>)
      %dma_wait3A_261 = arith.constant 0 : i32
      %dma_wait3A_262 = arith.constant 0 : i32
      %dma_wait3A_263 = tpu.memref_slice %arg7[%dma_wait3A_261, %dma_wait3A_262] : memref<10064x128xf32, #tpu.memory_space<vmem_shared>> -> memref<10064x128xf32, #tpu.memory_space<vmem_shared>>
      tpu.wait_indirect_dma semaphore(%arg39 : memref<!tpu.dma_semaphore, #tpu.memory_space<semaphore_mem>>) src(%arg19 : memref<64x128xf32, #tpu.memory_space<vmem>>) dst(%dma_wait3A_263 : memref<10064x128xf32, #tpu.memory_space<vmem_shared>>)
      %dma_start3A_264 = arith.constant 0 : i32
      %dma_start3A_265 = arith.constant 0 : i32
      %dma_start3A_266 = tpu.memref_slice %arg2[%dma_start3A_264, %dma_start3A_265] : memref<10000x128xf32, #tpu.memory_space<hbm>> -> memref<10000x128xf32, #tpu.memory_space<hbm>>
      tpu.enqueue_indirect_dma source(%dma_start3A_266 : memref<10000x128xf32, #tpu.memory_space<hbm>>) target(%arg19 : memref<64x128xf32, #tpu.memory_space<vmem>>) offsets(%arg9 : memref<64xi32, #tpu.memory_space<vmem>>) semaphore(%arg24 : memref<!tpu.dma_semaphore, #tpu.memory_space<semaphore_mem>>)
      %mul3A_267 = arith.constant 5 : i32
      %mul3A_268 = arith.muli %mul3A_267, %scan3A_144 : i32
      %add3A_269 = arith.constant 5 : i32
      %add3A_270 = arith.addi %mul3A_268, %add3A_269 : i32
      %add3A_271 = arith.constant 1 : i32
      %add3A_272 = arith.addi %add3A_270, %add3A_271 : i32
      %mul3A_273 = arith.constant 64 : i32
      %mul3A_274 = arith.muli %add3A_272, %mul3A_273 : i32
      %add3A_275 = arith.addi %mul3A_4, %mul3A_274 : i32
      %dma_start3A_276 = tpu.memref_slice %arg4[%add3A_275] : memref<327680xi32, #tpu.memory_space<hbm>> -> memref<64xi32, #tpu.memory_space<hbm>>
      %dma_start3A_277 = tpu.memref_slice %arg4[%add3A_275] : memref<327680xi32, #tpu.memory_space<hbm>> -> memref<64xi32, #tpu.memory_space<hbm>>
      tpu.enqueue_dma source(%dma_start3A_277 : memref<64xi32, #tpu.memory_space<hbm>>) target(%arg14 : memref<64xi32, #tpu.memory_space<vmem>>) target_semaphore(%arg34 : memref<!tpu.dma_semaphore, #tpu.memory_space<semaphore_mem>>)
      %dma_wait3A_278 = tpu.memref_slice %arg3[%mul3A_4] : memref<327680xi32, #tpu.memory_space<hbm>> -> memref<64xi32, #tpu.memory_space<hbm>>
      %dma_wait3A_279 = tpu.memref_slice %arg3[%mul3A_4] : memref<327680xi32, #tpu.memory_space<hbm>> -> memref<64xi32, #tpu.memory_space<hbm>>
      tpu.wait_dma2 semaphore(%arg30 : memref<!tpu.dma_semaphore, #tpu.memory_space<semaphore_mem>>) src(%dma_wait3A_279 : memref<64xi32, #tpu.memory_space<hbm>>) dst(%arg10 : memref<64xi32, #tpu.memory_space<vmem>>)
      %dma_wait3A_280 = arith.constant 0 : i32
      %dma_wait3A_281 = arith.constant 0 : i32
      %dma_wait3A_282 = tpu.memref_slice %arg7[%dma_wait3A_280, %dma_wait3A_281] : memref<10064x128xf32, #tpu.memory_space<vmem_shared>> -> memref<10064x128xf32, #tpu.memory_space<vmem_shared>>
      tpu.wait_indirect_dma semaphore(%arg40 : memref<!tpu.dma_semaphore, #tpu.memory_space<semaphore_mem>>) src(%arg20 : memref<64x128xf32, #tpu.memory_space<vmem>>) dst(%dma_wait3A_282 : memref<10064x128xf32, #tpu.memory_space<vmem_shared>>)
      %dma_start3A_283 = arith.constant 0 : i32
      %dma_start3A_284 = arith.constant 0 : i32
      %dma_start3A_285 = tpu.memref_slice %arg2[%dma_start3A_283, %dma_start3A_284] : memref<10000x128xf32, #tpu.memory_space<hbm>> -> memref<10000x128xf32, #tpu.memory_space<hbm>>
      tpu.enqueue_indirect_dma source(%dma_start3A_285 : memref<10000x128xf32, #tpu.memory_space<hbm>>) target(%arg20 : memref<64x128xf32, #tpu.memory_space<vmem>>) offsets(%arg10 : memref<64xi32, #tpu.memory_space<vmem>>) semaphore(%arg25 : memref<!tpu.dma_semaphore, #tpu.memory_space<semaphore_mem>>)
      %mul3A_286 = arith.constant 5 : i32
      %mul3A_287 = arith.muli %mul3A_286, %scan3A_144 : i32
      %add3A_288 = arith.constant 5 : i32
      %add3A_289 = arith.addi %mul3A_287, %add3A_288 : i32
      %add3A_290 = arith.constant 2 : i32
      %add3A_291 = arith.addi %add3A_289, %add3A_290 : i32
      %mul3A_292 = arith.constant 64 : i32
      %mul3A_293 = arith.muli %add3A_291, %mul3A_292 : i32
      %add3A_294 = arith.addi %mul3A_4, %mul3A_293 : i32
      %dma_start3A_295 = tpu.memref_slice %arg4[%add3A_294] : memref<327680xi32, #tpu.memory_space<hbm>> -> memref<64xi32, #tpu.memory_space<hbm>>
      %dma_start3A_296 = tpu.memref_slice %arg4[%add3A_294] : memref<327680xi32, #tpu.memory_space<hbm>> -> memref<64xi32, #tpu.memory_space<hbm>>
      tpu.enqueue_dma source(%dma_start3A_296 : memref<64xi32, #tpu.memory_space<hbm>>) target(%arg15 : memref<64xi32, #tpu.memory_space<vmem>>) target_semaphore(%arg35 : memref<!tpu.dma_semaphore, #tpu.memory_space<semaphore_mem>>)
      %dma_wait3A_297 = tpu.memref_slice %arg3[%mul3A_4] : memref<327680xi32, #tpu.memory_space<hbm>> -> memref<64xi32, #tpu.memory_space<hbm>>
      %dma_wait3A_298 = tpu.memref_slice %arg3[%mul3A_4] : memref<327680xi32, #tpu.memory_space<hbm>> -> memref<64xi32, #tpu.memory_space<hbm>>
      tpu.wait_dma2 semaphore(%arg31 : memref<!tpu.dma_semaphore, #tpu.memory_space<semaphore_mem>>) src(%dma_wait3A_298 : memref<64xi32, #tpu.memory_space<hbm>>) dst(%arg11 : memref<64xi32, #tpu.memory_space<vmem>>)
      %dma_wait3A_299 = arith.constant 0 : i32
      %dma_wait3A_300 = arith.constant 0 : i32
      %dma_wait3A_301 = tpu.memref_slice %arg7[%dma_wait3A_299, %dma_wait3A_300] : memref<10064x128xf32, #tpu.memory_space<vmem_shared>> -> memref<10064x128xf32, #tpu.memory_space<vmem_shared>>
      tpu.wait_indirect_dma semaphore(%arg41 : memref<!tpu.dma_semaphore, #tpu.memory_space<semaphore_mem>>) src(%arg21 : memref<64x128xf32, #tpu.memory_space<vmem>>) dst(%dma_wait3A_301 : memref<10064x128xf32, #tpu.memory_space<vmem_shared>>)
      %dma_start3A_302 = arith.constant 0 : i32
      %dma_start3A_303 = arith.constant 0 : i32
      %dma_start3A_304 = tpu.memref_slice %arg2[%dma_start3A_302, %dma_start3A_303] : memref<10000x128xf32, #tpu.memory_space<hbm>> -> memref<10000x128xf32, #tpu.memory_space<hbm>>
      tpu.enqueue_indirect_dma source(%dma_start3A_304 : memref<10000x128xf32, #tpu.memory_space<hbm>>) target(%arg21 : memref<64x128xf32, #tpu.memory_space<vmem>>) offsets(%arg11 : memref<64xi32, #tpu.memory_space<vmem>>) semaphore(%arg26 : memref<!tpu.dma_semaphore, #tpu.memory_space<semaphore_mem>>)
      %mul3A_305 = arith.constant 5 : i32
      %mul3A_306 = arith.muli %mul3A_305, %scan3A_144 : i32
      %add3A_307 = arith.constant 5 : i32
      %add3A_308 = arith.addi %mul3A_306, %add3A_307 : i32
      %add3A_309 = arith.constant 3 : i32
      %add3A_310 = arith.addi %add3A_308, %add3A_309 : i32
      %mul3A_311 = arith.constant 64 : i32
      %mul3A_312 = arith.muli %add3A_310, %mul3A_311 : i32
      %add3A_313 = arith.addi %mul3A_4, %mul3A_312 : i32
      %dma_start3A_314 = tpu.memref_slice %arg4[%add3A_313] : memref<327680xi32, #tpu.memory_space<hbm>> -> memref<64xi32, #tpu.memory_space<hbm>>
      %dma_start3A_315 = tpu.memref_slice %arg4[%add3A_313] : memref<327680xi32, #tpu.memory_space<hbm>> -> memref<64xi32, #tpu.memory_space<hbm>>
      tpu.enqueue_dma source(%dma_start3A_315 : memref<64xi32, #tpu.memory_space<hbm>>) target(%arg16 : memref<64xi32, #tpu.memory_space<vmem>>) target_semaphore(%arg36 : memref<!tpu.dma_semaphore, #tpu.memory_space<semaphore_mem>>)
      %dma_wait3A_316 = tpu.memref_slice %arg3[%mul3A_4] : memref<327680xi32, #tpu.memory_space<hbm>> -> memref<64xi32, #tpu.memory_space<hbm>>
      %dma_wait3A_317 = tpu.memref_slice %arg3[%mul3A_4] : memref<327680xi32, #tpu.memory_space<hbm>> -> memref<64xi32, #tpu.memory_space<hbm>>
      tpu.wait_dma2 semaphore(%arg32 : memref<!tpu.dma_semaphore, #tpu.memory_space<semaphore_mem>>) src(%dma_wait3A_317 : memref<64xi32, #tpu.memory_space<hbm>>) dst(%arg12 : memref<64xi32, #tpu.memory_space<vmem>>)
      %dma_wait3A_318 = arith.constant 0 : i32
      %dma_wait3A_319 = arith.constant 0 : i32
      %dma_wait3A_320 = tpu.memref_slice %arg7[%dma_wait3A_318, %dma_wait3A_319] : memref<10064x128xf32, #tpu.memory_space<vmem_shared>> -> memref<10064x128xf32, #tpu.memory_space<vmem_shared>>
      tpu.wait_indirect_dma semaphore(%arg42 : memref<!tpu.dma_semaphore, #tpu.memory_space<semaphore_mem>>) src(%arg22 : memref<64x128xf32, #tpu.memory_space<vmem>>) dst(%dma_wait3A_320 : memref<10064x128xf32, #tpu.memory_space<vmem_shared>>)
      %dma_start3A_321 = arith.constant 0 : i32
      %dma_start3A_322 = arith.constant 0 : i32
      %dma_start3A_323 = tpu.memref_slice %arg2[%dma_start3A_321, %dma_start3A_322] : memref<10000x128xf32, #tpu.memory_space<hbm>> -> memref<10000x128xf32, #tpu.memory_space<hbm>>
      tpu.enqueue_indirect_dma source(%dma_start3A_323 : memref<10000x128xf32, #tpu.memory_space<hbm>>) target(%arg22 : memref<64x128xf32, #tpu.memory_space<vmem>>) offsets(%arg12 : memref<64xi32, #tpu.memory_space<vmem>>) semaphore(%arg27 : memref<!tpu.dma_semaphore, #tpu.memory_space<semaphore_mem>>)
      %mul3A_324 = arith.constant 5 : i32
      %mul3A_325 = arith.muli %mul3A_324, %scan3A_144 : i32
      %add3A_326 = arith.constant 5 : i32
      %add3A_327 = arith.addi %mul3A_325, %add3A_326 : i32
      %add3A_328 = arith.constant 4 : i32
      %add3A_329 = arith.addi %add3A_327, %add3A_328 : i32
      %mul3A_330 = arith.constant 64 : i32
      %mul3A_331 = arith.muli %add3A_329, %mul3A_330 : i32
      %add3A_332 = arith.addi %mul3A_4, %mul3A_331 : i32
      %dma_start3A_333 = tpu.memref_slice %arg4[%add3A_332] : memref<327680xi32, #tpu.memory_space<hbm>> -> memref<64xi32, #tpu.memory_space<hbm>>
      %dma_start3A_334 = tpu.memref_slice %arg4[%add3A_332] : memref<327680xi32, #tpu.memory_space<hbm>> -> memref<64xi32, #tpu.memory_space<hbm>>
      tpu.enqueue_dma source(%dma_start3A_334 : memref<64xi32, #tpu.memory_space<hbm>>) target(%arg17 : memref<64xi32, #tpu.memory_space<vmem>>) target_semaphore(%arg37 : memref<!tpu.dma_semaphore, #tpu.memory_space<semaphore_mem>>)
    }
    %scan3A_78 = arith.constant 31 : i32
    %dma_wait3A_79 = arith.constant 0 : i32
    %dma_wait3A_80 = arith.constant 0 : i32
    %dma_wait3A_81 = tpu.memref_slice %arg2[%dma_wait3A_79, %dma_wait3A_80] : memref<10000x128xf32, #tpu.memory_space<hbm>> -> memref<10000x128xf32, #tpu.memory_space<hbm>>
    tpu.wait_indirect_dma semaphore(%arg23 : memref<!tpu.dma_semaphore, #tpu.memory_space<semaphore_mem>>) src(%dma_wait3A_81 : memref<10000x128xf32, #tpu.memory_space<hbm>>) dst(%arg18 : memref<64x128xf32, #tpu.memory_space<vmem>>)
    %dma_wait3A_82 = tpu.memref_slice %arg4[%mul3A_4] : memref<327680xi32, #tpu.memory_space<hbm>> -> memref<64xi32, #tpu.memory_space<hbm>>
    %dma_wait3A_83 = tpu.memref_slice %arg4[%mul3A_4] : memref<327680xi32, #tpu.memory_space<hbm>> -> memref<64xi32, #tpu.memory_space<hbm>>
    tpu.wait_dma2 semaphore(%arg33 : memref<!tpu.dma_semaphore, #tpu.memory_space<semaphore_mem>>) src(%dma_wait3A_83 : memref<64xi32, #tpu.memory_space<hbm>>) dst(%arg13 : memref<64xi32, #tpu.memory_space<vmem>>)
    %dma_start3A_84 = arith.constant 0 : i32
    %dma_start3A_85 = arith.constant 0 : i32
    %dma_start3A_86 = tpu.memref_slice %arg7[%dma_start3A_84, %dma_start3A_85] : memref<10064x128xf32, #tpu.memory_space<vmem_shared>> -> memref<10064x128xf32, #tpu.memory_space<vmem_shared>>
    tpu.enqueue_indirect_dma source(%arg18 : memref<64x128xf32, #tpu.memory_space<vmem>>) target(%dma_start3A_86 : memref<10064x128xf32, #tpu.memory_space<vmem_shared>>) offsets(%arg13 : memref<64xi32, #tpu.memory_space<vmem>>) semaphore(%arg38 : memref<!tpu.dma_semaphore, #tpu.memory_space<semaphore_mem>>) {add = true}
    %dma_wait3A_87 = arith.constant 0 : i32
    %dma_wait3A_88 = arith.constant 0 : i32
    %dma_wait3A_89 = tpu.memref_slice %arg2[%dma_wait3A_87, %dma_wait3A_88] : memref<10000x128xf32, #tpu.memory_space<hbm>> -> memref<10000x128xf32, #tpu.memory_space<hbm>>
    tpu.wait_indirect_dma semaphore(%arg24 : memref<!tpu.dma_semaphore, #tpu.memory_space<semaphore_mem>>) src(%dma_wait3A_89 : memref<10000x128xf32, #tpu.memory_space<hbm>>) dst(%arg19 : memref<64x128xf32, #tpu.memory_space<vmem>>)
    %dma_wait3A_90 = tpu.memref_slice %arg4[%mul3A_4] : memref<327680xi32, #tpu.memory_space<hbm>> -> memref<64xi32, #tpu.memory_space<hbm>>
    %dma_wait3A_91 = tpu.memref_slice %arg4[%mul3A_4] : memref<327680xi32, #tpu.memory_space<hbm>> -> memref<64xi32, #tpu.memory_space<hbm>>
    tpu.wait_dma2 semaphore(%arg34 : memref<!tpu.dma_semaphore, #tpu.memory_space<semaphore_mem>>) src(%dma_wait3A_91 : memref<64xi32, #tpu.memory_space<hbm>>) dst(%arg14 : memref<64xi32, #tpu.memory_space<vmem>>)
    %dma_start3A_92 = arith.constant 0 : i32
    %dma_start3A_93 = arith.constant 0 : i32
    %dma_start3A_94 = tpu.memref_slice %arg7[%dma_start3A_92, %dma_start3A_93] : memref<10064x128xf32, #tpu.memory_space<vmem_shared>> -> memref<10064x128xf32, #tpu.memory_space<vmem_shared>>
    tpu.enqueue_indirect_dma source(%arg19 : memref<64x128xf32, #tpu.memory_space<vmem>>) target(%dma_start3A_94 : memref<10064x128xf32, #tpu.memory_space<vmem_shared>>) offsets(%arg14 : memref<64xi32, #tpu.memory_space<vmem>>) semaphore(%arg39 : memref<!tpu.dma_semaphore, #tpu.memory_space<semaphore_mem>>) {add = true}
    %dma_wait3A_95 = arith.constant 0 : i32
    %dma_wait3A_96 = arith.constant 0 : i32
    %dma_wait3A_97 = tpu.memref_slice %arg2[%dma_wait3A_95, %dma_wait3A_96] : memref<10000x128xf32, #tpu.memory_space<hbm>> -> memref<10000x128xf32, #tpu.memory_space<hbm>>
    tpu.wait_indirect_dma semaphore(%arg25 : memref<!tpu.dma_semaphore, #tpu.memory_space<semaphore_mem>>) src(%dma_wait3A_97 : memref<10000x128xf32, #tpu.memory_space<hbm>>) dst(%arg20 : memref<64x128xf32, #tpu.memory_space<vmem>>)
    %dma_wait3A_98 = tpu.memref_slice %arg4[%mul3A_4] : memref<327680xi32, #tpu.memory_space<hbm>> -> memref<64xi32, #tpu.memory_space<hbm>>
    %dma_wait3A_99 = tpu.memref_slice %arg4[%mul3A_4] : memref<327680xi32, #tpu.memory_space<hbm>> -> memref<64xi32, #tpu.memory_space<hbm>>
    tpu.wait_dma2 semaphore(%arg35 : memref<!tpu.dma_semaphore, #tpu.memory_space<semaphore_mem>>) src(%dma_wait3A_99 : memref<64xi32, #tpu.memory_space<hbm>>) dst(%arg15 : memref<64xi32, #tpu.memory_space<vmem>>)
    %dma_start3A_100 = arith.constant 0 : i32
    %dma_start3A_101 = arith.constant 0 : i32
    %dma_start3A_102 = tpu.memref_slice %arg7[%dma_start3A_100, %dma_start3A_101] : memref<10064x128xf32, #tpu.memory_space<vmem_shared>> -> memref<10064x128xf32, #tpu.memory_space<vmem_shared>>
    tpu.enqueue_indirect_dma source(%arg20 : memref<64x128xf32, #tpu.memory_space<vmem>>) target(%dma_start3A_102 : memref<10064x128xf32, #tpu.memory_space<vmem_shared>>) offsets(%arg15 : memref<64xi32, #tpu.memory_space<vmem>>) semaphore(%arg40 : memref<!tpu.dma_semaphore, #tpu.memory_space<semaphore_mem>>) {add = true}
    %dma_wait3A_103 = arith.constant 0 : i32
    %dma_wait3A_104 = arith.constant 0 : i32
    %dma_wait3A_105 = tpu.memref_slice %arg2[%dma_wait3A_103, %dma_wait3A_104] : memref<10000x128xf32, #tpu.memory_space<hbm>> -> memref<10000x128xf32, #tpu.memory_space<hbm>>
    tpu.wait_indirect_dma semaphore(%arg26 : memref<!tpu.dma_semaphore, #tpu.memory_space<semaphore_mem>>) src(%dma_wait3A_105 : memref<10000x128xf32, #tpu.memory_space<hbm>>) dst(%arg21 : memref<64x128xf32, #tpu.memory_space<vmem>>)
    %dma_wait3A_106 = tpu.memref_slice %arg4[%mul3A_4] : memref<327680xi32, #tpu.memory_space<hbm>> -> memref<64xi32, #tpu.memory_space<hbm>>
    %dma_wait3A_107 = tpu.memref_slice %arg4[%mul3A_4] : memref<327680xi32, #tpu.memory_space<hbm>> -> memref<64xi32, #tpu.memory_space<hbm>>
    tpu.wait_dma2 semaphore(%arg36 : memref<!tpu.dma_semaphore, #tpu.memory_space<semaphore_mem>>) src(%dma_wait3A_107 : memref<64xi32, #tpu.memory_space<hbm>>) dst(%arg16 : memref<64xi32, #tpu.memory_space<vmem>>)
    %dma_start3A_108 = arith.constant 0 : i32
    %dma_start3A_109 = arith.constant 0 : i32
    %dma_start3A_110 = tpu.memref_slice %arg7[%dma_start3A_108, %dma_start3A_109] : memref<10064x128xf32, #tpu.memory_space<vmem_shared>> -> memref<10064x128xf32, #tpu.memory_space<vmem_shared>>
    tpu.enqueue_indirect_dma source(%arg21 : memref<64x128xf32, #tpu.memory_space<vmem>>) target(%dma_start3A_110 : memref<10064x128xf32, #tpu.memory_space<vmem_shared>>) offsets(%arg16 : memref<64xi32, #tpu.memory_space<vmem>>) semaphore(%arg41 : memref<!tpu.dma_semaphore, #tpu.memory_space<semaphore_mem>>) {add = true}
    %dma_wait3A_111 = arith.constant 0 : i32
    %dma_wait3A_112 = arith.constant 0 : i32
    %dma_wait3A_113 = tpu.memref_slice %arg2[%dma_wait3A_111, %dma_wait3A_112] : memref<10000x128xf32, #tpu.memory_space<hbm>> -> memref<10000x128xf32, #tpu.memory_space<hbm>>
    tpu.wait_indirect_dma semaphore(%arg27 : memref<!tpu.dma_semaphore, #tpu.memory_space<semaphore_mem>>) src(%dma_wait3A_113 : memref<10000x128xf32, #tpu.memory_space<hbm>>) dst(%arg22 : memref<64x128xf32, #tpu.memory_space<vmem>>)
    %dma_wait3A_114 = tpu.memref_slice %arg4[%mul3A_4] : memref<327680xi32, #tpu.memory_space<hbm>> -> memref<64xi32, #tpu.memory_space<hbm>>
    %dma_wait3A_115 = tpu.memref_slice %arg4[%mul3A_4] : memref<327680xi32, #tpu.memory_space<hbm>> -> memref<64xi32, #tpu.memory_space<hbm>>
    tpu.wait_dma2 semaphore(%arg37 : memref<!tpu.dma_semaphore, #tpu.memory_space<semaphore_mem>>) src(%dma_wait3A_115 : memref<64xi32, #tpu.memory_space<hbm>>) dst(%arg17 : memref<64xi32, #tpu.memory_space<vmem>>)
    %dma_start3A_116 = arith.constant 0 : i32
    %dma_start3A_117 = arith.constant 0 : i32
    %dma_start3A_118 = tpu.memref_slice %arg7[%dma_start3A_116, %dma_start3A_117] : memref<10064x128xf32, #tpu.memory_space<vmem_shared>> -> memref<10064x128xf32, #tpu.memory_space<vmem_shared>>
    tpu.enqueue_indirect_dma source(%arg22 : memref<64x128xf32, #tpu.memory_space<vmem>>) target(%dma_start3A_118 : memref<10064x128xf32, #tpu.memory_space<vmem_shared>>) offsets(%arg17 : memref<64xi32, #tpu.memory_space<vmem>>) semaphore(%arg42 : memref<!tpu.dma_semaphore, #tpu.memory_space<semaphore_mem>>) {add = true}
    %dma_wait3A_119 = arith.constant 0 : i32
    %dma_wait3A_120 = arith.constant 0 : i32
    %dma_wait3A_121 = tpu.memref_slice %arg7[%dma_wait3A_119, %dma_wait3A_120] : memref<10064x128xf32, #tpu.memory_space<vmem_shared>> -> memref<10064x128xf32, #tpu.memory_space<vmem_shared>>
    tpu.wait_indirect_dma semaphore(%arg38 : memref<!tpu.dma_semaphore, #tpu.memory_space<semaphore_mem>>) src(%arg18 : memref<64x128xf32, #tpu.memory_space<vmem>>) dst(%dma_wait3A_121 : memref<10064x128xf32, #tpu.memory_space<vmem_shared>>)
    %dma_wait3A_122 = arith.constant 0 : i32
    %dma_wait3A_123 = arith.constant 0 : i32
    %dma_wait3A_124 = tpu.memref_slice %arg7[%dma_wait3A_122, %dma_wait3A_123] : memref<10064x128xf32, #tpu.memory_space<vmem_shared>> -> memref<10064x128xf32, #tpu.memory_space<vmem_shared>>
    tpu.wait_indirect_dma semaphore(%arg39 : memref<!tpu.dma_semaphore, #tpu.memory_space<semaphore_mem>>) src(%arg19 : memref<64x128xf32, #tpu.memory_space<vmem>>) dst(%dma_wait3A_124 : memref<10064x128xf32, #tpu.memory_space<vmem_shared>>)
    %dma_wait3A_125 = arith.constant 0 : i32
    %dma_wait3A_126 = arith.constant 0 : i32
    %dma_wait3A_127 = tpu.memref_slice %arg7[%dma_wait3A_125, %dma_wait3A_126] : memref<10064x128xf32, #tpu.memory_space<vmem_shared>> -> memref<10064x128xf32, #tpu.memory_space<vmem_shared>>
    tpu.wait_indirect_dma semaphore(%arg40 : memref<!tpu.dma_semaphore, #tpu.memory_space<semaphore_mem>>) src(%arg20 : memref<64x128xf32, #tpu.memory_space<vmem>>) dst(%dma_wait3A_127 : memref<10064x128xf32, #tpu.memory_space<vmem_shared>>)
    %dma_wait3A_128 = arith.constant 0 : i32
    %dma_wait3A_129 = arith.constant 0 : i32
    %dma_wait3A_130 = tpu.memref_slice %arg7[%dma_wait3A_128, %dma_wait3A_129] : memref<10064x128xf32, #tpu.memory_space<vmem_shared>> -> memref<10064x128xf32, #tpu.memory_space<vmem_shared>>
    tpu.wait_indirect_dma semaphore(%arg41 : memref<!tpu.dma_semaphore, #tpu.memory_space<semaphore_mem>>) src(%arg21 : memref<64x128xf32, #tpu.memory_space<vmem>>) dst(%dma_wait3A_130 : memref<10064x128xf32, #tpu.memory_space<vmem_shared>>)
    %dma_wait3A_131 = arith.constant 0 : i32
    %dma_wait3A_132 = arith.constant 0 : i32
    %dma_wait3A_133 = tpu.memref_slice %arg7[%dma_wait3A_131, %dma_wait3A_132] : memref<10064x128xf32, #tpu.memory_space<vmem_shared>> -> memref<10064x128xf32, #tpu.memory_space<vmem_shared>>
    tpu.wait_indirect_dma semaphore(%arg42 : memref<!tpu.dma_semaphore, #tpu.memory_space<semaphore_mem>>) src(%arg22 : memref<64x128xf32, #tpu.memory_space<vmem>>) dst(%dma_wait3A_133 : memref<10064x128xf32, #tpu.memory_space<vmem_shared>>)
    %barrier3A_134 = arith.constant 0 : index
    tpu.barrier barrier_id(%barrier3A_134)
    %mul3A_135 = arith.constant 624 : i32
    %mul3A_136 = arith.muli %arg1, %mul3A_135 : i32
    %mul3A_137 = arith.constant 624 : i32
    %mul3A_138 = arith.muli %arg1, %mul3A_137 : i32
    "tpu.region"() ({
      %run_scoped3A = tpu.sem_alloc : memref<!tpu.dma_semaphore, #tpu.memory_space<semaphore_mem>>
      %dma_start3A_144 = arith.constant 0 : i32
      %dma_start3A_145 = tpu.memref_slice %arg6[%arg0, %mul3A_138, %dma_start3A_144] : memref<2x10000x128xf32, #tpu.memory_space<hbm>> -> memref<1x624x128xf32, #tpu.memory_space<hbm>>
      %dma_start3A_146 = tpu.memref_squeeze %dma_start3A_145 : memref<1x624x128xf32, #tpu.memory_space<hbm>> -> memref<624x128xf32, #tpu.memory_space<hbm>>
      %dma_start3A_147 = arith.constant 0 : i32
      %dma_start3A_148 = tpu.memref_slice %arg7[%mul3A_136, %dma_start3A_147] : memref<10064x128xf32, #tpu.memory_space<vmem_shared>> -> memref<624x128xf32, #tpu.memory_space<vmem_shared>>
      tpu.enqueue_dma source(%dma_start3A_148 : memref<624x128xf32, #tpu.memory_space<vmem_shared>>) target(%dma_start3A_146 : memref<624x128xf32, #tpu.memory_space<hbm>>) target_semaphore(%run_scoped3A : memref<!tpu.dma_semaphore, #tpu.memory_space<semaphore_mem>>)
      %dma_wait3A_149 = arith.constant 0 : i32
      %dma_wait3A_150 = tpu.memref_slice %arg6[%arg0, %mul3A_138, %dma_wait3A_149] : memref<2x10000x128xf32, #tpu.memory_space<hbm>> -> memref<1x624x128xf32, #tpu.memory_space<hbm>>
      %dma_wait3A_151 = tpu.memref_squeeze %dma_wait3A_150 : memref<1x624x128xf32, #tpu.memory_space<hbm>> -> memref<624x128xf32, #tpu.memory_space<hbm>>
      %dma_wait3A_152 = arith.constant 0 : i32
      %dma_wait3A_153 = tpu.memref_slice %arg7[%mul3A_136, %dma_wait3A_152] : memref<10064x128xf32, #tpu.memory_space<vmem_shared>> -> memref<624x128xf32, #tpu.memory_space<vmem_shared>>
      tpu.wait_dma2 semaphore(%run_scoped3A : memref<!tpu.dma_semaphore, #tpu.memory_space<semaphore_mem>>) src(%dma_wait3A_153 : memref<624x128xf32, #tpu.memory_space<vmem_shared>>) dst(%dma_wait3A_151 : memref<624x128xf32, #tpu.memory_space<hbm>>)
      tpu.yield
    }) : () -> ()
    %eq3A_139 = arith.constant 15 : i32
    %eq3A_140 = arith.cmpi eq, %arg1, %eq3A_139 : i32
    %convert_element_type3A_141 = arith.extui %eq3A_140 : i1 to i32
    %cond3A_142 = arith.constant 0 : i32
    %cond3A_143 = arith.cmpi ne, %convert_element_type3A_141, %cond3A_142 : i32
    scf.if %cond3A_143 {
      "tpu.region"() ({
        %run_scoped3A = tpu.sem_alloc : memref<!tpu.dma_semaphore, #tpu.memory_space<semaphore_mem>>
        %dma_start3A_144 = arith.constant 9984 : i32
        %dma_start3A_145 = arith.constant 0 : i32
        %dma_start3A_146 = tpu.memref_slice %arg6[%arg0, %dma_start3A_144, %dma_start3A_145] : memref<2x10000x128xf32, #tpu.memory_space<hbm>> -> memref<1x16x128xf32, #tpu.memory_space<hbm>>
        %dma_start3A_147 = tpu.memref_squeeze %dma_start3A_146 : memref<1x16x128xf32, #tpu.memory_space<hbm>> -> memref<16x128xf32, #tpu.memory_space<hbm>>
        %dma_start3A_148 = arith.constant 9984 : i32
        %dma_start3A_149 = arith.constant 0 : i32
        %dma_start3A_150 = tpu.memref_slice %arg7[%dma_start3A_148, %dma_start3A_149] : memref<10064x128xf32, #tpu.memory_space<vmem_shared>> -> memref<16x128xf32, #tpu.memory_space<vmem_shared>>
        tpu.enqueue_dma source(%dma_start3A_150 : memref<16x128xf32, #tpu.memory_space<vmem_shared>>) target(%dma_start3A_147 : memref<16x128xf32, #tpu.memory_space<hbm>>) target_semaphore(%run_scoped3A : memref<!tpu.dma_semaphore, #tpu.memory_space<semaphore_mem>>)
        %dma_wait3A_151 = arith.constant 9984 : i32
        %dma_wait3A_152 = arith.constant 0 : i32
        %dma_wait3A_153 = tpu.memref_slice %arg6[%arg0, %dma_wait3A_151, %dma_wait3A_152] : memref<2x10000x128xf32, #tpu.memory_space<hbm>> -> memref<1x16x128xf32, #tpu.memory_space<hbm>>
        %dma_wait3A_154 = tpu.memref_squeeze %dma_wait3A_153 : memref<1x16x128xf32, #tpu.memory_space<hbm>> -> memref<16x128xf32, #tpu.memory_space<hbm>>
        %dma_wait3A_155 = arith.constant 9984 : i32
        %dma_wait3A_156 = arith.constant 0 : i32
        %dma_wait3A_157 = tpu.memref_slice %arg7[%dma_wait3A_155, %dma_wait3A_156] : memref<10064x128xf32, #tpu.memory_space<vmem_shared>> -> memref<16x128xf32, #tpu.memory_space<vmem_shared>>
        tpu.wait_dma2 semaphore(%run_scoped3A : memref<!tpu.dma_semaphore, #tpu.memory_space<semaphore_mem>>) src(%dma_wait3A_157 : memref<16x128xf32, #tpu.memory_space<vmem_shared>>) dst(%dma_wait3A_154 : memref<16x128xf32, #tpu.memory_space<hbm>>)
        tpu.yield
      }) : () -> ()
    } else {
    }
    return
  }
}

module attributes {stable_mosaic.version = 14 : i64} {
  func.func @body(%arg0: i32, %arg1: memref<1024x128xf32, #tpu.memory_space<vmem>>, %arg2: memref<32x2x1024xf32, #tpu.memory_space<vmem>>, %arg3: memref<1x128xf32, #tpu.memory_space<vmem>>, %arg4: memref<1x128xf32, #tpu.memory_space<vmem>>, %arg5: memref<1024x128xf32, #tpu.memory_space<vmem>>) attributes {dimension_semantics = [#tpu.dimension_semantics<arbitrary>], iteration_bounds = array<i64: 10>, scalar_prefetch = 0 : i64, scratch_operands = 0 : i64, tpu.core_type = #tpu.core_type<tc>, window_params = [{transform_indices = @transform_0, window_bounds = array<i64: 1024, 128>}, {transform_indices = @transform_1, window_bounds = array<i64: 32, 2, 1024>}, {pipeline_mode = #tpu.pipeline_mode<synchronous>, transform_indices = @transform_2, window_bounds = array<i64: 1, 128>}, {pipeline_mode = #tpu.pipeline_mode<synchronous>, transform_indices = @transform_3, window_bounds = array<i64: 1, 128>}, {transform_indices = @transform_4, window_bounds = array<i64: 1024, 128>}]} {
    %get3A = arith.constant 0 : index
    %get3A_0 = arith.constant 0 : index
    %get3A_1 = vector.load %arg1[%get3A, %get3A_0] : memref<1024x128xf32, #tpu.memory_space<vmem>>, vector<1024x128xf32>
    %reduce_sum3A = arith.constant dense<0.000000e+00> : vector<1024xf32>
    %reduce_sum3A_2 = vector.multi_reduction <add>, %get3A_1, %reduce_sum3A [1] : vector<1024x128xf32> to vector<1024xf32>
    %broadcast_in_dim3A = vector.shape_cast %reduce_sum3A_2 : vector<1024xf32> to vector<1024x1xf32>
    %div3A = arith.constant 1.280000e+02 : f32
    %div3A_3 = vector.broadcast %div3A : f32 to vector<1024x1xf32>
    %div3A_4 = arith.divf %broadcast_in_dim3A, %div3A_3 : vector<1024x1xf32>
    %sub3A = vector.broadcast %div3A_4 : vector<1024x1xf32> to vector<1024x128xf32>
    %sub3A_5 = arith.subf %get3A_1, %sub3A : vector<1024x128xf32>
    %mul3A = arith.mulf %sub3A_5, %sub3A_5 : vector<1024x128xf32>
    %reduce_sum3A_6 = arith.constant dense<0.000000e+00> : vector<1024xf32>
    %reduce_sum3A_7 = vector.multi_reduction <add>, %mul3A, %reduce_sum3A_6 [1] : vector<1024x128xf32> to vector<1024xf32>
    %broadcast_in_dim3A_8 = vector.shape_cast %reduce_sum3A_7 : vector<1024xf32> to vector<1024x1xf32>
    %div3A_9 = arith.constant 1.270000e+02 : f32
    %div3A_10 = vector.broadcast %div3A_9 : f32 to vector<1024x1xf32>
    %div3A_11 = arith.divf %broadcast_in_dim3A_8, %div3A_10 : vector<1024x1xf32>
    %sqrt3A = math.sqrt %div3A_11 : vector<1024x1xf32>
    %get3A_12 = arith.constant 0 : index
    %get3A_13 = arith.constant 0 : index
    %get3A_14 = vector.load %arg3[%get3A_12, %get3A_13] : memref<1x128xf32, #tpu.memory_space<vmem>>, vector<1x128xf32>
    %mul3A_15 = vector.broadcast %get3A_14 : vector<1x128xf32> to vector<1024x128xf32>
    %mul3A_16 = arith.mulf %mul3A_15, %sub3A_5 : vector<1024x128xf32>
    %add3A = arith.constant 9.99999997E-7 : f32
    %add3A_17 = vector.broadcast %add3A : f32 to vector<1024x1xf32>
    %add3A_18 = arith.addf %sqrt3A, %add3A_17 : vector<1024x1xf32>
    %div3A_19 = vector.broadcast %add3A_18 : vector<1024x1xf32> to vector<1024x128xf32>
    %div3A_20 = arith.divf %mul3A_16, %div3A_19 : vector<1024x128xf32>
    %get3A_21 = arith.constant 0 : index
    %get3A_22 = arith.constant 0 : index
    %get3A_23 = vector.load %arg4[%get3A_21, %get3A_22] : memref<1x128xf32, #tpu.memory_space<vmem>>, vector<1x128xf32>
    %add3A_24 = vector.broadcast %get3A_23 : vector<1x128xf32> to vector<1024x128xf32>
    %add3A_25 = arith.addf %div3A_20, %add3A_24 : vector<1024x128xf32>
    %get3A_26 = arith.constant 0 : index
    %get3A_27 = arith.constant 0 : index
    %get3A_28 = arith.constant 0 : index
    %get3A_29 = vector.load %arg2[%get3A_26, %get3A_27, %get3A_28] : memref<32x2x1024xf32, #tpu.memory_space<vmem>>, vector<32x2x1024xf32>
    %slice3A = vector.extract_strided_slice %get3A_29 {offsets = [0, 0, 0], sizes = [32, 1, 1024], strides = [1, 1, 1]} : vector<32x2x1024xf32> to vector<32x1x1024xf32>
    %squeeze3A = vector.shape_cast %slice3A : vector<32x1x1024xf32> to vector<32x1024xf32>
    %reduce_sum3A_30 = arith.constant dense<0.000000e+00> : vector<1024xf32>
    %reduce_sum3A_31 = vector.multi_reduction <add>, %squeeze3A, %reduce_sum3A_30 [0] : vector<32x1024xf32> to vector<1024xf32>
    %max3A = arith.constant 1.000000e+00 : f32
    %max3A_32 = vector.broadcast %max3A : f32 to vector<1024xf32>
    %max3A_33 = arith.maximumf %reduce_sum3A_31, %max3A_32 : vector<1024xf32>
    %rsqrt3A = math.rsqrt %max3A_33 : vector<1024xf32>
    %broadcast_in_dim3A_34 = vector.shape_cast %rsqrt3A : vector<1024xf32> to vector<1024x1xf32>
    %mul3A_35 = vector.broadcast %broadcast_in_dim3A_34 : vector<1024x1xf32> to vector<1024x128xf32>
    %mul3A_36 = arith.mulf %add3A_25, %mul3A_35 : vector<1024x128xf32>
    %swap3A = arith.constant 0 : index
    %swap3A_37 = arith.constant 0 : index
    %swap3A_38 = vector.load %arg5[%swap3A, %swap3A_37] : memref<1024x128xf32, #tpu.memory_space<vmem>>, vector<1024x128xf32>
    tpu.vector_store %arg5[%swap3A, %swap3A_37], %mul3A_36 {strides = array<i32>} : memref<1024x128xf32, #tpu.memory_space<vmem>>, vector<1024x128xf32>,
    return
  }
  func.func @transform_0(%arg0: i32) -> (i32, i32) {
    %c0_i32 = arith.constant 0 : i32
    %c0_i32_0 = arith.constant 0 : i32
    return %arg0, %c0_i32 : i32, i32
  }
  func.func @transform_1(%arg0: i32) -> (i32, i32, i32) {
    %c0_i32 = arith.constant 0 : i32
    %c0_i32_0 = arith.constant 0 : i32
    %c0_i32_1 = arith.constant 0 : i32
    return %c0_i32, %c0_i32_0, %arg0 : i32, i32, i32
  }
  func.func @transform_2(%arg0: i32) -> (i32, i32) {
    %c0_i32 = arith.constant 0 : i32
    %c0_i32_0 = arith.constant 0 : i32
    %c0_i32_1 = arith.constant 0 : i32
    return %c0_i32, %c0_i32_0 : i32, i32
  }
  func.func @transform_3(%arg0: i32) -> (i32, i32) {
    %c0_i32 = arith.constant 0 : i32
    %c0_i32_0 = arith.constant 0 : i32
    %c0_i32_1 = arith.constant 0 : i32
    return %c0_i32, %c0_i32_0 : i32, i32
  }
  func.func @transform_4(%arg0: i32) -> (i32, i32) {
    %c0_i32 = arith.constant 0 : i32
    %c0_i32_0 = arith.constant 0 : i32
    return %arg0, %c0_i32 : i32, i32
  }
}

module attributes {stable_mosaic.version = 14 : i64} {
  func.func @body(%arg0: i32, %arg1: memref<2x1024x128xf32, #tpu.memory_space<vmem>>, %arg2: memref<32x2x1024xf32, #tpu.memory_space<vmem>>, %arg3: memref<1024x128xf32, #tpu.memory_space<vmem>>, %arg4: memref<128x128xf32, #tpu.memory_space<vmem>>, %arg5: memref<1x128xf32, #tpu.memory_space<vmem>>, %arg6: memref<1024x128xf32, #tpu.memory_space<vmem>>) attributes {dimension_semantics = [#tpu.dimension_semantics<arbitrary>], iteration_bounds = array<i64: 10>, scalar_prefetch = 0 : i64, scratch_operands = 0 : i64, tpu.core_type = #tpu.core_type<tc>, window_params = [{transform_indices = @transform_0, window_bounds = array<i64: 2, 1024, 128>}, {transform_indices = @transform_1, window_bounds = array<i64: 32, 2, 1024>}, {transform_indices = @transform_2, window_bounds = array<i64: 1024, 128>}, {pipeline_mode = #tpu.pipeline_mode<synchronous>, transform_indices = @transform_3, window_bounds = array<i64: 128, 128>}, {pipeline_mode = #tpu.pipeline_mode<synchronous>, transform_indices = @transform_4, window_bounds = array<i64: 1, 128>}, {transform_indices = @transform_5, window_bounds = array<i64: 1024, 128>}]} {
    %get3A = arith.constant 0 : index
    %get3A_0 = arith.constant 0 : index
    %get3A_1 = arith.constant 0 : index
    %get3A_2 = vector.load %arg1[%get3A, %get3A_0, %get3A_1] : memref<2x1024x128xf32, #tpu.memory_space<vmem>>, vector<1x1024x128xf32>
    %get3A_3 = vector.shape_cast %get3A_2 : vector<1x1024x128xf32> to vector<1024x128xf32>
    %get3A_4 = arith.constant 1 : index
    %get3A_5 = arith.constant 0 : index
    %get3A_6 = arith.constant 0 : index
    %get3A_7 = vector.load %arg1[%get3A_4, %get3A_5, %get3A_6] : memref<2x1024x128xf32, #tpu.memory_space<vmem>>, vector<1x1024x128xf32>
    %get3A_8 = vector.shape_cast %get3A_7 : vector<1x1024x128xf32> to vector<1024x128xf32>
    %add3A = arith.addf %get3A_3, %get3A_8 : vector<1024x128xf32>
    %get3A_9 = arith.constant 0 : index
    %get3A_10 = arith.constant 0 : index
    %get3A_11 = arith.constant 0 : index
    %get3A_12 = vector.load %arg2[%get3A_9, %get3A_10, %get3A_11] : memref<32x2x1024xf32, #tpu.memory_space<vmem>>, vector<32x2x1024xf32>
    %slice3A = vector.extract_strided_slice %get3A_12 {offsets = [0, 1, 0], sizes = [32, 1, 1024], strides = [1, 1, 1]} : vector<32x2x1024xf32> to vector<32x1x1024xf32>
    %squeeze3A = vector.shape_cast %slice3A : vector<32x1x1024xf32> to vector<32x1024xf32>
    %reduce_sum3A = arith.constant dense<0.000000e+00> : vector<1024xf32>
    %reduce_sum3A_13 = vector.multi_reduction <add>, %squeeze3A, %reduce_sum3A [0] : vector<32x1024xf32> to vector<1024xf32>
    %max3A = arith.constant 1.000000e+00 : f32
    %max3A_14 = vector.broadcast %max3A : f32 to vector<1024xf32>
    %max3A_15 = arith.maximumf %reduce_sum3A_13, %max3A_14 : vector<1024xf32>
    %rsqrt3A = math.rsqrt %max3A_15 : vector<1024xf32>
    %broadcast_in_dim3A = vector.shape_cast %rsqrt3A : vector<1024xf32> to vector<1024x1xf32>
    %mul3A = vector.broadcast %broadcast_in_dim3A : vector<1024x1xf32> to vector<1024x128xf32>
    %mul3A_16 = arith.mulf %add3A, %mul3A : vector<1024x128xf32>
    %get3A_17 = arith.constant 0 : index
    %get3A_18 = arith.constant 0 : index
    %get3A_19 = vector.load %arg4[%get3A_17, %get3A_18] : memref<128x128xf32, #tpu.memory_space<vmem>>, vector<128x128xf32>
    %dot_general3A = arith.constant dense<0.000000e+00> : vector<1024x128xf32>
    %dot_general3A_20 = tpu.matmul %mul3A_16, %get3A_19, %dot_general3A {dimension_numbers = #tpu.dot_dimension_numbers<[1], [0], [0], [1], [0, 0, 1, 1], [], []>, transpose_lhs_hint = false} : vector<1024x128xf32>, vector<128x128xf32>, vector<1024x128xf32> -> vector<1024x128xf32>
    %get3A_21 = arith.constant 0 : index
    %get3A_22 = arith.constant 0 : index
    %get3A_23 = vector.load %arg5[%get3A_21, %get3A_22] : memref<1x128xf32, #tpu.memory_space<vmem>>, vector<1x128xf32>
    %add3A_24 = vector.broadcast %get3A_23 : vector<1x128xf32> to vector<1024x128xf32>
    %add3A_25 = arith.addf %dot_general3A_20, %add3A_24 : vector<1024x128xf32>
    %max3A_26 = arith.constant 0.000000e+00 : f32
    %max3A_27 = vector.broadcast %max3A_26 : f32 to vector<1024x128xf32>
    %max3A_28 = arith.maximumf %add3A_25, %max3A_27 : vector<1024x128xf32>
    %get3A_29 = arith.constant 0 : index
    %get3A_30 = arith.constant 0 : index
    %get3A_31 = vector.load %arg3[%get3A_29, %get3A_30] : memref<1024x128xf32, #tpu.memory_space<vmem>>, vector<1024x128xf32>
    %add3A_32 = arith.addf %max3A_28, %get3A_31 : vector<1024x128xf32>
    %swap3A = arith.constant 0 : index
    %swap3A_33 = arith.constant 0 : index
    %swap3A_34 = vector.load %arg6[%swap3A, %swap3A_33] : memref<1024x128xf32, #tpu.memory_space<vmem>>, vector<1024x128xf32>
    tpu.vector_store %arg6[%swap3A, %swap3A_33], %add3A_32 {strides = array<i32>} : memref<1024x128xf32, #tpu.memory_space<vmem>>, vector<1024x128xf32>,
    return
  }
  func.func @transform_0(%arg0: i32) -> (i32, i32, i32) {
    %c0_i32 = arith.constant 0 : i32
    %c0_i32_0 = arith.constant 0 : i32
    %c0_i32_1 = arith.constant 0 : i32
    return %c0_i32, %arg0, %c0_i32_0 : i32, i32, i32
  }
  func.func @transform_1(%arg0: i32) -> (i32, i32, i32) {
    %c0_i32 = arith.constant 0 : i32
    %c0_i32_0 = arith.constant 0 : i32
    %c0_i32_1 = arith.constant 0 : i32
    return %c0_i32, %c0_i32_0, %arg0 : i32, i32, i32
  }
  func.func @transform_2(%arg0: i32) -> (i32, i32) {
    %c0_i32 = arith.constant 0 : i32
    %c0_i32_0 = arith.constant 0 : i32
    return %arg0, %c0_i32 : i32, i32
  }
  func.func @transform_3(%arg0: i32) -> (i32, i32) {
    %c0_i32 = arith.constant 0 : i32
    %c0_i32_0 = arith.constant 0 : i32
    %c0_i32_1 = arith.constant 0 : i32
    return %c0_i32, %c0_i32_0 : i32, i32
  }
  func.func @transform_4(%arg0: i32) -> (i32, i32) {
    %c0_i32 = arith.constant 0 : i32
    %c0_i32_0 = arith.constant 0 : i32
    %c0_i32_1 = arith.constant 0 : i32
    return %c0_i32, %c0_i32_0 : i32, i32
  }
  func.func @transform_5(%arg0: i32) -> (i32, i32) {
    %c0_i32 = arith.constant 0 : i32
    %c0_i32_0 = arith.constant 0 : i32
    return %arg0, %c0_i32 : i32, i32
  }
}

</mosaic_0001>

<sc_bundles>
// kernel: kernel.6.cloned.1.call-start
scs
__scs_entry_jumppad:
0x0: {  	(pc) =	sbr.rel $0x88, $3  }
0x1: {  	(tag) =	ssettag $0x0;
	lr =	simm.s32 $0x1  }
0x2: {  	[smem:$0x3F9B] =	sst lr;
	_ =	strace $0xD0000000  }
0x3: {  	_ = 	snop  }
0x4: {  	_ = 	snop  }
0x5: {  	_ = 	snop  }
0x6: {  	_ = 	snop  }
0x7: {  	_ = 	snop  }
__scs_overlays_trampoline_lowered:
0x8: {  	[smem:$0x3FAA] =	sst s0  }
0x9: {  	[smem:$0x3FAB] =	sst s1  }
0xa: {  	[smem:$0x3FAC] =	sst s2  }
0xb: {  	[smem:$0x3FAD] =	sst s3  }
0xc: {  	[smem:$0x3FAE] =	sst s4  }
0xd: {  	[smem:$0x3FAF] =	sst s5  }
0xe: {  	[smem:$0x3FB0] =	sst s6  }
0xf: {  	[smem:$0x3FB1] =	sst s7  }
0x10: {  	[smem:$0x3FB2] =	sst s8  }
0x11: {  	[smem:$0x3FB3] =	sst s9;
	s0 =	simm.s32 @!p0 $0x0  }
0x12: {  	s1 =	sld [smem:$0x3F99];
	s0 =	simm.s32 @p0 $0x1  }
0x13: {  	[smem:$0x3FB4] =	sst s0;
	s0 =	simm.s32 @!p1 $0x0  }
0x14: {  	s2 =	sld [smem:$0x3F98];
	s0 =	simm.s32 @p1 $0x1  }
0x15: {  	[smem:$0x3FB5] =	sst s0;
	s0 =	simm.s32 @!p2 $0x0  }
0x16: {  	s3 =	sld [smem:$0x3FDB];
	s0 =	simm.s32 @p2 $0x1  }
0x17: {  	s4 =	simm.s32 $0x1BF5;
	[smem:$0x3FB7] =	sst s0  }
0x18: {  	s0 =	sld [smem:$0x3F9A];
	_ =	swait.ge [sflag:s4], $0x0  }
0x19: {  	s7 =	sld [smem:$0x3F9B]  }
0x1a: {  	s8 =	sadd.s32 $0xFFFFE003, lr  }
0x1b: {  	s9 =	sadd.s32 $0xFFFFFEF7, lr;
	s5 =	simm.s32 $0xFFFFFFFF;
	p2 =	slt.u32 s8, $0xFFFFF086  }
0x1c: {  	p1 =	slt.u32 s9, $0xF7A;
	s5 =	simm.s32 @!p2 $0x0  }
0x1d: {  	s5 =	simm.s32 @p1 $0x1;
	p0 =	seq.s32 s7, s2  }
0x1e: {  	s7 =	smul.u32 @!p0 $0xF7A, s2;
	p2 =	seq.s32 @!p0 s5, $0x0  }
0x1f: {  	s9 =	smul.u32 $0xF7A, s1;
	s8 =	simm.s32 @!p0 $0x1BF5;
	p2 =	por !p2, p0  }
0x20: {  	[sflag:s8] =	ssyncset.s32 @!p0 $0xFFFFF086;
	s6 =	sadd.s32 @!p0 s3, s7;
	s7 =	simm.s32 @!p0 $0x108  }
0x21: {  	s3 =	sadd.s32 s3, s9;
	s6 =	sadd.s32 @!p0 $0x88, s6;
	s7 =	simm.s32 @p2 $0x1082  }
0x22: {  	[simem:s7], [sflag:s8] =	dma.local @!p0 [hbm:s6], $0xF7A  }
0x23: {  	s9 =	sor.u32 $0xD0000000, s2;
	s6 =	simm.s32 $0x108;
	_ =	swait.ge @!p0 [sflag:s8], $0x0  }
0x24: {  	s3 =	sadd.s32 $0x88, s3;
	s6 =	simm.s32 @!p1 $0x1082;
	[sflag:s4] =	ssyncset.s32 $0xFFFFF086  }
0x25: {  	[simem:s6], [sflag:s4] =	dma.local [hbm:s3], $0xF7A  }
0x26: {  	[smem:$0x3F9B] =	sst s1;
	(tag) =	ssettag s2;
	_ =	strace s9  }
0x27: {  	s1 =	sld [smem:$0x3FAB]  }
0x28: {  	s2 =	sld [smem:$0x3FAC]  }
0x29: {  	s4 =	sld [smem:$0x3FAE]  }
0x2a: {  	p0 =	seq.s32 s5, $0x0;
	s5 =	sld [smem:$0x3FAF]  }
0x2b: {  	s6 =	sld [smem:$0x3FB0]  }
0x2c: {  	s7 =	sld [smem:$0x3FB1]  }
0x2d: {  	s3 =	simm.s32 $0x108;
	s8 =	sld [smem:$0x3FB2]  }
0x2e: {  	s3 =	simm.s32 @!p0 $0x1082;
	s9 =	sld [smem:$0x3FB3]  }
0x2f: {  	lr =	sadd.s32 s0, s3;
	s0 =	sld [smem:$0x3FAA]  }
0x30: {  	s3 =	sld [smem:$0x3FAD]  }
0x31: {  	[smem:$0x3FB6] =	sst s10  }
0x32: {  	s10 =	sld [smem:$0x3FB4];
	_ =	sdelay $0x3  }
0x33: {  	p0 =	seq.s32 s10, $0x1;
	s10 =	sld [smem:$0x3FB6];
	_ =	sdelay $0x3  }
0x34: {  	[smem:$0x3FB6] =	sst s10  }
0x35: {  	s10 =	sld [smem:$0x3FB5];
	_ =	sdelay $0x3  }
0x36: {  	p1 =	seq.s32 s10, $0x1;
	s10 =	sld [smem:$0x3FB6];
	_ =	sdelay $0x3  }
0x37: {  	[smem:$0x3FB6] =	sst s10  }
0x38: {  	s10 =	sld [smem:$0x3FB7]  }
0x39: {  	_ = 	snop;
	(pc) =	sbr.ind lr, $3  }
0x3a: {  	_ = 	snop  }
0x3b: {  	_ = 	snop  }
0x3c: {  	p2 =	seq.s32 s10, $0x1;
	s10 =	sld [smem:$0x3FB6]  }
0x3d: {  	_ =	shalt  }
0x3e: {  	_ =	shalt  }
0x3f: {  	_ =	shalt  }
0x40: {  	_ =	shalt  }
0x41: {  	_ =	shalt  }
0x42: {  	_ =	shalt  }
0x43: {  	_ =	shalt  }
0x44: {  	_ =	shalt  }
0x45: {  	_ =	shalt  }
0x46: {  	_ =	shalt  }
0x47: {  	_ =	shalt  }
0x48: {  	_ =	shalt  }
0x49: {  	_ =	shalt  }
0x4a: {  	_ =	shalt  }
0x4b: {  	_ =	shalt  }
0x4c: {  	_ =	shalt  }
0x4d: {  	_ =	shalt  }
0x4e: {  	_ =	shalt  }
0x4f: {  	_ =	shalt  }
0x50: {  	_ =	shalt  }
0x51: {  	_ =	shalt  }
0x52: {  	_ =	shalt  }
0x53: {  	_ =	shalt  }
0x54: {  	_ =	shalt  }
0x55: {  	_ =	shalt  }
0x56: {  	_ =	shalt  }
0x57: {  	_ =	shalt  }
0x58: {  	_ =	shalt  }
0x59: {  	_ =	shalt  }
0x5a: {  	_ =	shalt  }
0x5b: {  	_ =	shalt  }
0x5c: {  	_ =	shalt  }
0x5d: {  	_ =	shalt  }
0x5e: {  	_ =	shalt  }
0x5f: {  	_ =	shalt  }
0x60: {  	_ =	shalt  }
0x61: {  	_ =	shalt  }
0x62: {  	_ =	shalt  }
0x63: {  	_ =	shalt  }
0x64: {  	_ =	shalt  }
0x65: {  	_ =	shalt  }
0x66: {  	_ =	shalt  }
0x67: {  	_ =	shalt  }
0x68: {  	_ =	shalt  }
0x69: {  	_ =	shalt  }
0x6a: {  	_ =	shalt  }
0x6b: {  	_ =	shalt  }
0x6c: {  	_ =	shalt  }
0x6d: {  	_ =	shalt  }
0x6e: {  	_ =	shalt  }
0x6f: {  	_ =	shalt  }
0x70: {  	_ =	shalt  }
0x71: {  	_ =	shalt  }
0x72: {  	_ =	shalt  }
0x73: {  	_ =	shalt  }
0x74: {  	_ =	shalt  }
0x75: {  	_ =	shalt  }
0x76: {  	_ =	shalt  }
0x77: {  	_ =	shalt  }
0x78: {  	_ =	shalt  }
0x79: {  	_ =	shalt  }
0x7a: {  	_ =	shalt  }
0x7b: {  	_ =	shalt  }
0x7c: {  	_ =	shalt  }
0x7d: {  	_ =	shalt  }
0x7e: {  	_ =	shalt  }
0x7f: {  	_ =	shalt  }
0x80: {  	_ =	shalt  }
0x81: {  	_ =	shalt  }
0x82: {  	_ =	shalt  }
0x83: {  	_ =	shalt  }
0x84: {  	_ =	shalt  }
0x85: {  	_ =	shalt  }
0x86: {  	_ =	shalt  }
0x87: {  	_ =	shalt  }
.Lfunc_end0:
.L_simem_size_0:
called_computation_lowered:
.L_overlay_start_0:
0x88: {  	s2 =	sld [smem:$0x3FD9]  }
0x89: {  	s3 =	sld [smem:$0x3FFE];
	_ =	sdelay $0x1  }
0x8a: {  	s1 =	srdreg.scid  }
0x8b: {  	s0 =	sand.u32 $0x1, s1  }
0x8c: {  	s17 =	sshll.u32 s0, $0xA;
	s2 =	sadd.s32 s3, s2  }
0x8d: {  	s2 =	sadd.s32 s2, s17  }
0x8e: {  	[smem:$0x3FC2] =	sst s2  }
0x8f: {  	_ = 	snop  }
0x90: {  	s2 =	sld [smem:$0x3FD0];
	(tm) =	ssettm $0x1  }
0x91: {  	s18 =	sld [smem:$0x3FFB];
	_ =	sdelay $0x3  }
0x92: {  	_ =	strace s18  }
0x93: {  	s3 =	sld [smem:$0x3FFC];
	_ =	sdelay $0x3  }
0x94: {  	_ =	strace s3  }
0x95: {  	s3 =	sld [smem:$0x3FFD];
	_ =	sdelay $0x3  }
0x96: {  	_ =	strace s3  }
0x97: {  	_ =	strace $0x8FFFFFFF  }
0x98: {  	s19 =	sld [smem:$0x3FDB];
	_ =	sdelay $0x1  }
0x99: {  	s4 =	simm.s32 $_scs_section_size  }
0x9a: {  	s5 =	simm.s32 $_size__tile_overlayer_lowered;
	s6 =	simm.s32 $_tile_overlayer_lowered  }
0x9b: {  	s22 =	simm.s32 $0x1BFF;
	s21 =	sshll.u32 s6, $0x1;
	s3 =	sadd.s32 s4, s19  }
0x9c: {  	s7 =	simm.s32 $0x0;
	s20 =	sshll.u32 s5, $0x1;
	s5 =	sadd.s32 s21, s3  }
0x9d: {  	[timem:s7], [sflag:s22] =	dma.local [hbm:s5], s20  }
0x9e: {  	_ =	swait.ge [sflag:s22], s20  }
0x9f: {  	s4 =	ssub.s32 $0x0, s20;
	[sflag:s22] =	ssyncset.done $0x0  }
0xa0: {  	[sflag:s22] =	ssyncadd.s32 s4;
	_ =	sdelay $0x1  }
0xa1: {  	s23 =	simm.s32 $0x1B8B  }
0xa2: {  	_ =	swait.ge [sflag:s23], $0x1  }
0xa3: {  	[sflag:s23] =	ssyncset.done $0x0  }
0xa4: {  	s25 =	simm.s32 $0x1B8E;
	s24 =	sld [smem:$0x3FFE];
	[sflag:s23] =	ssyncadd.s32 $0xFFFFFFFF  }
0xa5: {  	s26 =	simm.s32 $execute0_lowered;
	[smem:$0x3FD2] =	sst s25  }
0xa6: {  	s5 =	sshll.u32 s26, $0x1;
	_ =	strace $0x80000046;
	[dreg:$0x1] =	wrdreg $0xFFFFFFFF  }
0xa7: {  	s28 =	simm.s32 $_size_execute0_lowered;
	s3 =	sadd.s32 s3, s5;
	[dreg:$0x0] =	wrdreg $0x0  }
0xa8: {  	s5 =	sshll.u32 s28, $0x1;
	[dreg:$0x2] =	wrdreg s3  }
0xa9: {  	[dreg:$0x3] =	wrdreg s5  }
0xaa: {  	[dreg:$0x4] =	wrdreg $0xC0  }
0xab: {  	_ =	task [dreg:s7], $0x5FFFF  }
0xac: {  	[dreg:$0x1] =	wrdreg $0xFFFFFFFF  }
0xad: {  	[dreg:$0x0] =	wrdreg $0x60  }
0xae: {  	[dreg:$0x2] =	wrdreg s24  }
0xaf: {  	[dreg:$0x3] =	wrdreg s2  }
0xb0: {  	[dreg:$0x4] =	wrdreg $0x9  }
0xb1: {  	_ =	task.clear_ibuf [dreg:s7], $0x5FFFF;
	_ =	strace $0x90000046  }
0xb2: {  	s29 =	simm.s32 $0x9;
	_ =	strace $0x80000048  }
0xb3: {  	_ =	swait.ge [sflag:s29], $0x1  }
0xb4: {  	[sflag:s29] =	ssyncadd.s32 $0xFFFFFFFF  }
0xb5: {  	_ =	strace $0x90000048  }
0xb6: {  	_ =	sfence  }
0xb7: {  	s30 =	sld [smem:$0x0];
	_ =	sdelay $0x2  }
0xb8: {  	s31 =	sshll.u32 s1, $0xD;
	s1 =	sshrl.u32 s1, $0x2  }
0xb9: {  	s3 =	sand.u32 $0x4000, s31;
	s1 =	sadd.s32 s1, s30  }
0xba: {  	s0 =	sor.u32 s3, s0;
	s1 =	sshll.u32 s1, $0x11  }
0xbb: {  	s0 =	sor.u32 s1, s0  }
0xbc: {  	s0 =	sadd.s32 $0x8F2B, s0  }
0xbd: {  	[sflag:s0] =	ssyncadd.remote.s32 $0x1  }
0xbe: {  	_ =	sfence.sel $0xFFFF  }
0xbf: {  	[dreg:$0x0] =	wrdreg $0xFFFFFFFF;
	(pc) =	sbr.abs _section_cstart, $3  }
0xc0: {  	[dreg:$0x1] =	wrdreg $0xFFFFFFFF  }
0xc1: {  	_ =	task.clear_ibuf [dreg:s7], $0x2FFFF;
	_ =	strace $0x9FFFFFFF  }
0xc2: {  	(tm) =	ssettm $0x7FFFFFFF  }
0xc3: {  	_ =	shalt  }
tec
execute0_lowered:
.L_overlay_start_1:
0x0: {  	(tag) =	ssettag $0x1  }
0x1: {  	s0 =	srdreg.scid;
	s4 =	rddreg [dreg:$0x0]  }
0x2: {  	s5 =	rddreg [dreg:$0x1];
	s3 =	sand.u32 $0x1, s0  }
0x3: {  	s2 =	simm.s32 $0x0;
	s0 =	stileid.u32;
	s1 =	sshll.u32 s3, $0x4  }
0x4: {  	s9 =	simm.s32 $0x1;
	s10 =	simm.s32 $0x7680;
	s6 =	sor.u32 s0, s1  }
0x5: {  	s11 =	simm.s32 $0x2780;
	s12 =	simm.s32 $0x0;
	s7 =	smul.u32 $0x4E20, s6  }
0x6: {  	[smem:$0x7FF] =	sst s2;
	s3 =	ssub.s32 $0x2, s3;
	s6 =	smul.u32 $0x4E2, s6  }
0x7: {  	s1 =	rddreg [dreg:$0x2];
	_ =	strace $0x80000047;
	s8 =	sshrl.u32 s3, $0x1  }
0x8: {  	s8 =	ssub.s32 s3, s8;
	s7 =	sshrl.u32 s7, $0x3;
	s6 =	sadd.s32 s6, s4  }
0x9: {  	s3 =	sadd.s32 s5, s7;
	s4 =	sadd.s32 $0xB600, s6;
	s5 =	sadd.s32 $0x1800, s6  }
0xa: {  	v0 =	vimm.f32 $0.0e+00;
	v1 =	vimm.f32 $1.000000000e+00;
	s7 =	smax.u32 s8, $0x1;
	s8 =	simm.s32 $0x4F00;
	s6 =	sadd.s32 $0x4E2, s3  }
.LBB2_1:
0xb: {  	[tilespmem:s8], [sflag:$0x1] =	stream.linear.gather [hbm4b:s4+s2], $0x2710, $0x38;
	[tilespmem:$0x9E00] =	vst v63  }
0xc: {  	_ =	swait.ge [sflag:s9], $0x2710  }
0xd: {  	[sflag:s9] =	ssyncset.done $0x0  }
0xe: {  	[sflag:s9] =	ssyncadd.s32 $0xFFFFD8F0  }
0xf: {  	[tilespmem:s10], [sflag:$0x1] =	stream.linear.gather [hbm4b:s5+s2], $0x2710, $0x38;
	[tilespmem:$0x9E00] =	vst v63  }
0x10: {  	_ =	swait.ge [sflag:s9], $0x2710  }
0x11: {  	[sflag:s9] =	ssyncset.done $0x0  }
0x12: {  	s13 =	simm.s32 $0x0;
	[sflag:s9] =	ssyncadd.s32 $0xFFFFD8F0  }
.LBB2_2:
0x13: {  	p0 =	sne.s32 s13, $0x9C00  }
.Ltmp0:
0x14: {  	_ = 	snop;
	(pc) =	sbr.rel @p0 .LBB2_2-.Ltmp0, $4  }
0x15: {  	_ = 	snop  }
0x16: {  	s14 =	sshra.s32 s13, $0x2  }
0x17: {  	[tilespmem:s14+$0x0] =	vst v0  }
0x18: {  	s13 =	sadd.s32 $0x40, s13;
	[tilespmem:s14+$0x2780] =	vst v0  }
0x19: {  	s14 =	simm.s32 $0x0;
	s13 =	simm.s32 $0x40  }
.LBB2_4:
0x1a: {  	p0 =	sne.s32 s13, $0x9C00;
	v2 =	vld [tilespmem:s14+$0x4F00];
	_ =	sdelay $0x7  }
0x1b: {  	[tilespmem:v2+s2+$0x0] =	vst.idx.add.f32.msk $0xffff, v1  }
0x1c: {  	v2 =	vld [tilespmem:s14+$0x7680];
	_ =	sdelay $0x3  }
.Ltmp1:
0x1d: {  	(pc) =	sbr.rel @p0 .LBB2_4-.Ltmp1, $2  }
0x1e: {  	_ =	sdelay $0x2  }
0x1f: {  	s14 =	sshra.s32 s13, $0x2;
	s13 =	sadd.s32 $0x40, s13;
	[tilespmem:v2+s11+$0x0] =	vst.idx.add.f32.msk $0xffff, v1  }
0x20: {  	v2 =	vld [tilespmem:s14+$0x4F00];
	_ =	sdelay $0x7  }
0x21: {  	[tilespmem:v2+s2+$0x0] =	vst.idx.add.f32.msk $0xffff, v1  }
0x22: {  	v2 =	vld [tilespmem:s14+$0x7680];
	_ =	sdelay $0x7  }
0x23: {  	[tilespmem:v2+s11+$0x0] =	vst.idx.add.f32.msk $0xffff, v1  }
0x24: {  	[hbm4b:s3+s2] =	stream.linear.scatter [tilespmem:s2], [sflag:$0x1], $0x2710, $0x38;
	[tilespmem:$0x9E00] =	vst v63  }
0x25: {  	s12 =	sadd.s32 $0x1, s12;
	_ =	swait.ge [sflag:s9], $0x2710  }
0x26: {  	p0 =	sne.s32 s12, s7;
	[sflag:s9] =	ssyncset.done $0x0  }
.Ltmp2:
0x27: {  	[sflag:s9] =	ssyncadd.s32 $0xFFFFD8F0;
	(pc) =	sbr.rel @p0 .LBB2_1-.Ltmp2, $4  }
0x28: {  	[hbm4b:s6+s2] =	stream.linear.scatter [tilespmem:s11], [sflag:$0x1], $0x2710, $0x38;
	[tilespmem:$0x9E00] =	vst v63  }
0x29: {  	_ =	swait.ge [sflag:s9], $0x2710  }
0x2a: {  	[sflag:s9] =	ssyncset.done $0x0  }
0x2b: {  	[sflag:s9] =	ssyncadd.s32 $0xFFFFD8F0  }
0x2c: {  	_ =	sfence.sel $0x180000  }
0x2d: {  	[bflag:$0x0] =	sbarrier.arrive $0xFFFF  }
0x2e: {  	p0 =	sne.s32 s0, $0x0;
	_ =	strace $0x90000047  }
0x2f: {  	s0 =	sadd.s32 @!p0 $0x100000, s1;
	[bflag:$0x2] =	sbarrier.arrive $0xFFFF  }
0x30: {  	[sflag:s0] =	ssyncadd.tile.s32 @!p0 $0x1;
	_ =	shalt  }
.Lfunc_end2:
_tile_overlayer_lowered:
.L_overlay_start_2:
0x31: {  	(tag) =	ssettag $0x2  }
0x32: {  	s0 =	rddreg [dreg:$0x0];
	s2 =	stileid.u32  }
0x33: {  	s1 =	rddreg [dreg:$0x1];
	p0 =	sne.s32 s2, $0x0  }
0x34: {  	s3 =	rddreg [dreg:$0x2];
	[bflag:$0x3] =	sbarrier.arrive $0xFFFF;
	s2 =	simm.s32 @!p0 $0x1C01  }
0x35: {  	[timem:s3], [sflag:s2] =	dma.local @!p0 [hbm:s0], s1  }
0x36: {  	s0 =	simm.s32 @!p0 $0x1  }
0x37: {  	_ =	swait.ge @!p0 [sflag:s0], s1  }
0x38: {  	s1 =	ssub.s32 @!p0 $0x0, s1;
	[sflag:s0] =	ssyncset.done @!p0 $0x0  }
0x39: {  	[sflag:s0] =	ssyncadd.s32 @!p0 s1  }
0x3a: {  	[bflag:$0x3] =	sbarrier.arrive $0xFFFF  }
0x3b: {  	_ =	shalt  }

// kernel: kernel.9.cloned.1.call-start
scs
__scs_entry_jumppad:
0x0: {  	(pc) =	sbr.rel $0x88, $3  }
0x1: {  	(tag) =	ssettag $0x0;
	lr =	simm.s32 $0x1  }
0x2: {  	[smem:$0x3F9B] =	sst lr;
	_ =	strace $0xD0000000  }
0x3: {  	_ = 	snop  }
0x4: {  	_ = 	snop  }
0x5: {  	_ = 	snop  }
0x6: {  	_ = 	snop  }
0x7: {  	_ = 	snop  }
__scs_overlays_trampoline_lowered:
0x8: {  	[smem:$0x3FAA] =	sst s0  }
0x9: {  	[smem:$0x3FAB] =	sst s1  }
0xa: {  	[smem:$0x3FAC] =	sst s2  }
0xb: {  	[smem:$0x3FAD] =	sst s3  }
0xc: {  	[smem:$0x3FAE] =	sst s4  }
0xd: {  	[smem:$0x3FAF] =	sst s5  }
0xe: {  	[smem:$0x3FB0] =	sst s6  }
0xf: {  	[smem:$0x3FB1] =	sst s7  }
0x10: {  	[smem:$0x3FB2] =	sst s8  }
0x11: {  	[smem:$0x3FB3] =	sst s9;
	s0 =	simm.s32 @!p0 $0x0  }
0x12: {  	s1 =	sld [smem:$0x3F99];
	s0 =	simm.s32 @p0 $0x1  }
0x13: {  	[smem:$0x3FB4] =	sst s0;
	s0 =	simm.s32 @!p1 $0x0  }
0x14: {  	s2 =	sld [smem:$0x3F98];
	s0 =	simm.s32 @p1 $0x1  }
0x15: {  	[smem:$0x3FB5] =	sst s0;
	s0 =	simm.s32 @!p2 $0x0  }
0x16: {  	s3 =	sld [smem:$0x3FDB];
	s0 =	simm.s32 @p2 $0x1  }
0x17: {  	s4 =	simm.s32 $0x1BF5;
	[smem:$0x3FB7] =	sst s0  }
0x18: {  	s0 =	sld [smem:$0x3F9A];
	_ =	swait.ge [sflag:s4], $0x0  }
0x19: {  	s7 =	sld [smem:$0x3F9B]  }
0x1a: {  	s8 =	sadd.s32 $0xFFFFE003, lr  }
0x1b: {  	s9 =	sadd.s32 $0xFFFFFEF7, lr;
	s5 =	simm.s32 $0xFFFFFFFF;
	p2 =	slt.u32 s8, $0xFFFFF086  }
0x1c: {  	p1 =	slt.u32 s9, $0xF7A;
	s5 =	simm.s32 @!p2 $0x0  }
0x1d: {  	s5 =	simm.s32 @p1 $0x1;
	p0 =	seq.s32 s7, s2  }
0x1e: {  	s7 =	smul.u32 @!p0 $0xF7A, s2;
	p2 =	seq.s32 @!p0 s5, $0x0  }
0x1f: {  	s9 =	smul.u32 $0xF7A, s1;
	s8 =	simm.s32 @!p0 $0x1BF5;
	p2 =	por !p2, p0  }
0x20: {  	[sflag:s8] =	ssyncset.s32 @!p0 $0xFFFFF086;
	s6 =	sadd.s32 @!p0 s3, s7;
	s7 =	simm.s32 @!p0 $0x108  }
0x21: {  	s3 =	sadd.s32 s3, s9;
	s6 =	sadd.s32 @!p0 $0x88, s6;
	s7 =	simm.s32 @p2 $0x1082  }
0x22: {  	[simem:s7], [sflag:s8] =	dma.local @!p0 [hbm:s6], $0xF7A  }
0x23: {  	s9 =	sor.u32 $0xD0000000, s2;
	s6 =	simm.s32 $0x108;
	_ =	swait.ge @!p0 [sflag:s8], $0x0  }
0x24: {  	s3 =	sadd.s32 $0x88, s3;
	s6 =	simm.s32 @!p1 $0x1082;
	[sflag:s4] =	ssyncset.s32 $0xFFFFF086  }
0x25: {  	[simem:s6], [sflag:s4] =	dma.local [hbm:s3], $0xF7A  }
0x26: {  	[smem:$0x3F9B] =	sst s1;
	(tag) =	ssettag s2;
	_ =	strace s9  }
0x27: {  	s1 =	sld [smem:$0x3FAB]  }
0x28: {  	s2 =	sld [smem:$0x3FAC]  }
0x29: {  	s4 =	sld [smem:$0x3FAE]  }
0x2a: {  	p0 =	seq.s32 s5, $0x0;
	s5 =	sld [smem:$0x3FAF]  }
0x2b: {  	s6 =	sld [smem:$0x3FB0]  }
0x2c: {  	s7 =	sld [smem:$0x3FB1]  }
0x2d: {  	s3 =	simm.s32 $0x108;
	s8 =	sld [smem:$0x3FB2]  }
0x2e: {  	s3 =	simm.s32 @!p0 $0x1082;
	s9 =	sld [smem:$0x3FB3]  }
0x2f: {  	lr =	sadd.s32 s0, s3;
	s0 =	sld [smem:$0x3FAA]  }
0x30: {  	s3 =	sld [smem:$0x3FAD]  }
0x31: {  	[smem:$0x3FB6] =	sst s10  }
0x32: {  	s10 =	sld [smem:$0x3FB4];
	_ =	sdelay $0x3  }
0x33: {  	p0 =	seq.s32 s10, $0x1;
	s10 =	sld [smem:$0x3FB6];
	_ =	sdelay $0x3  }
0x34: {  	[smem:$0x3FB6] =	sst s10  }
0x35: {  	s10 =	sld [smem:$0x3FB5];
	_ =	sdelay $0x3  }
0x36: {  	p1 =	seq.s32 s10, $0x1;
	s10 =	sld [smem:$0x3FB6];
	_ =	sdelay $0x3  }
0x37: {  	[smem:$0x3FB6] =	sst s10  }
0x38: {  	s10 =	sld [smem:$0x3FB7]  }
0x39: {  	_ = 	snop;
	(pc) =	sbr.ind lr, $3  }
0x3a: {  	_ = 	snop  }
0x3b: {  	_ = 	snop  }
0x3c: {  	p2 =	seq.s32 s10, $0x1;
	s10 =	sld [smem:$0x3FB6]  }
0x3d: {  	_ =	shalt  }
0x3e: {  	_ =	shalt  }
0x3f: {  	_ =	shalt  }
0x40: {  	_ =	shalt  }
0x41: {  	_ =	shalt  }
0x42: {  	_ =	shalt  }
0x43: {  	_ =	shalt  }
0x44: {  	_ =	shalt  }
0x45: {  	_ =	shalt  }
0x46: {  	_ =	shalt  }
0x47: {  	_ =	shalt  }
0x48: {  	_ =	shalt  }
0x49: {  	_ =	shalt  }
0x4a: {  	_ =	shalt  }
0x4b: {  	_ =	shalt  }
0x4c: {  	_ =	shalt  }
0x4d: {  	_ =	shalt  }
0x4e: {  	_ =	shalt  }
0x4f: {  	_ =	shalt  }
0x50: {  	_ =	shalt  }
0x51: {  	_ =	shalt  }
0x52: {  	_ =	shalt  }
0x53: {  	_ =	shalt  }
0x54: {  	_ =	shalt  }
0x55: {  	_ =	shalt  }
0x56: {  	_ =	shalt  }
0x57: {  	_ =	shalt  }
0x58: {  	_ =	shalt  }
0x59: {  	_ =	shalt  }
0x5a: {  	_ =	shalt  }
0x5b: {  	_ =	shalt  }
0x5c: {  	_ =	shalt  }
0x5d: {  	_ =	shalt  }
0x5e: {  	_ =	shalt  }
0x5f: {  	_ =	shalt  }
0x60: {  	_ =	shalt  }
0x61: {  	_ =	shalt  }
0x62: {  	_ =	shalt  }
0x63: {  	_ =	shalt  }
0x64: {  	_ =	shalt  }
0x65: {  	_ =	shalt  }
0x66: {  	_ =	shalt  }
0x67: {  	_ =	shalt  }
0x68: {  	_ =	shalt  }
0x69: {  	_ =	shalt  }
0x6a: {  	_ =	shalt  }
0x6b: {  	_ =	shalt  }
0x6c: {  	_ =	shalt  }
0x6d: {  	_ =	shalt  }
0x6e: {  	_ =	shalt  }
0x6f: {  	_ =	shalt  }
0x70: {  	_ =	shalt  }
0x71: {  	_ =	shalt  }
0x72: {  	_ =	shalt  }
0x73: {  	_ =	shalt  }
0x74: {  	_ =	shalt  }
0x75: {  	_ =	shalt  }
0x76: {  	_ =	shalt  }
0x77: {  	_ =	shalt  }
0x78: {  	_ =	shalt  }
0x79: {  	_ =	shalt  }
0x7a: {  	_ =	shalt  }
0x7b: {  	_ =	shalt  }
0x7c: {  	_ =	shalt  }
0x7d: {  	_ =	shalt  }
0x7e: {  	_ =	shalt  }
0x7f: {  	_ =	shalt  }
0x80: {  	_ =	shalt  }
0x81: {  	_ =	shalt  }
0x82: {  	_ =	shalt  }
0x83: {  	_ =	shalt  }
0x84: {  	_ =	shalt  }
0x85: {  	_ =	shalt  }
0x86: {  	_ =	shalt  }
0x87: {  	_ =	shalt  }
.Lfunc_end0:
.L_simem_size_0:
called_computation.1_lowered:
.L_overlay_start_0:
0x88: {  	s2 =	sld [smem:$0x3FD9]  }
0x89: {  	s3 =	sld [smem:$0x3FFE];
	_ =	sdelay $0x1  }
0x8a: {  	s1 =	srdreg.scid  }
0x8b: {  	s0 =	sand.u32 $0x1, s1  }
0x8c: {  	s17 =	sshll.u32 s0, $0xA;
	s2 =	sadd.s32 s3, s2  }
0x8d: {  	s2 =	sadd.s32 s2, s17  }
0x8e: {  	[smem:$0x3FC2] =	sst s2  }
0x8f: {  	_ = 	snop  }
0x90: {  	s2 =	sld [smem:$0x3FD0];
	(tm) =	ssettm $0x1  }
0x91: {  	s18 =	sld [smem:$0x3FFB];
	_ =	sdelay $0x3  }
0x92: {  	_ =	strace s18  }
0x93: {  	s3 =	sld [smem:$0x3FFC];
	_ =	sdelay $0x3  }
0x94: {  	_ =	strace s3  }
0x95: {  	s3 =	sld [smem:$0x3FFD];
	_ =	sdelay $0x3  }
0x96: {  	_ =	strace s3  }
0x97: {  	_ =	strace $0x8FFFFFFF  }
0x98: {  	s19 =	sld [smem:$0x3FDB];
	_ =	sdelay $0x1  }
0x99: {  	s4 =	simm.s32 $_scs_section_size  }
0x9a: {  	s5 =	simm.s32 $_size__tile_overlayer_lowered;
	s6 =	simm.s32 $_tile_overlayer_lowered  }
0x9b: {  	s22 =	simm.s32 $0x1BFF;
	s21 =	sshll.u32 s6, $0x1;
	s3 =	sadd.s32 s4, s19  }
0x9c: {  	s7 =	simm.s32 $0x0;
	s20 =	sshll.u32 s5, $0x1;
	s5 =	sadd.s32 s21, s3  }
0x9d: {  	[timem:s7], [sflag:s22] =	dma.local [hbm:s5], s20  }
0x9e: {  	_ =	swait.ge [sflag:s22], s20  }
0x9f: {  	s4 =	ssub.s32 $0x0, s20;
	[sflag:s22] =	ssyncset.done $0x0  }
0xa0: {  	[sflag:s22] =	ssyncadd.s32 s4;
	_ =	sdelay $0x1  }
0xa1: {  	s23 =	simm.s32 $0x1B8B  }
0xa2: {  	_ =	swait.ge [sflag:s23], $0x1  }
0xa3: {  	[sflag:s23] =	ssyncset.done $0x0  }
0xa4: {  	s25 =	simm.s32 $0x1B8E;
	s24 =	sld [smem:$0x3FFE];
	[sflag:s23] =	ssyncadd.s32 $0xFFFFFFFF  }
0xa5: {  	s26 =	simm.s32 $execute0_lowered;
	[smem:$0x3FD2] =	sst s25  }
0xa6: {  	s5 =	sshll.u32 s26, $0x1;
	_ =	strace $0x80000049;
	[dreg:$0x1] =	wrdreg $0xFFFFFFFF  }
0xa7: {  	s28 =	simm.s32 $_size_execute0_lowered;
	s3 =	sadd.s32 s3, s5;
	[dreg:$0x0] =	wrdreg $0x0  }
0xa8: {  	s5 =	sshll.u32 s28, $0x1;
	[dreg:$0x2] =	wrdreg s3  }
0xa9: {  	[dreg:$0x3] =	wrdreg s5  }
0xaa: {  	[dreg:$0x4] =	wrdreg $0xC0  }
0xab: {  	_ =	task [dreg:s7], $0x5FFFF  }
0xac: {  	[dreg:$0x1] =	wrdreg $0xFFFFFFFF  }
0xad: {  	[dreg:$0x0] =	wrdreg $0x60  }
0xae: {  	[dreg:$0x2] =	wrdreg s2  }
0xaf: {  	[dreg:$0x3] =	wrdreg s24  }
0xb0: {  	[dreg:$0x4] =	wrdreg $0x0  }
0xb1: {  	[dreg:$0x5] =	wrdreg $0x9  }
0xb2: {  	_ =	task.clear_ibuf [dreg:s7], $0x6FFFF;
	_ =	strace $0x90000049  }
0xb3: {  	s29 =	simm.s32 $0x9;
	_ =	strace $0x8000004B  }
0xb4: {  	_ =	swait.ge [sflag:s29], $0x1  }
0xb5: {  	[sflag:s29] =	ssyncadd.s32 $0xFFFFFFFF  }
0xb6: {  	_ =	strace $0x9000004B  }
0xb7: {  	_ =	sfence  }
0xb8: {  	s30 =	sld [smem:$0x0];
	_ =	sdelay $0x2  }
0xb9: {  	s31 =	sshll.u32 s1, $0xD;
	s1 =	sshrl.u32 s1, $0x2  }
0xba: {  	s3 =	sand.u32 $0x4000, s31;
	s1 =	sadd.s32 s1, s30  }
0xbb: {  	s0 =	sor.u32 s3, s0;
	s1 =	sshll.u32 s1, $0x11  }
0xbc: {  	s0 =	sor.u32 s1, s0  }
0xbd: {  	s0 =	sadd.s32 $0x8F2B, s0  }
0xbe: {  	[sflag:s0] =	ssyncadd.remote.s32 $0x1  }
0xbf: {  	_ =	sfence.sel $0xFFFF  }
0xc0: {  	[dreg:$0x0] =	wrdreg $0xFFFFFFFF;
	(pc) =	sbr.abs _section_cstart, $3  }
0xc1: {  	[dreg:$0x1] =	wrdreg $0xFFFFFFFF  }
0xc2: {  	_ =	task.clear_ibuf [dreg:s7], $0x2FFFF;
	_ =	strace $0x9FFFFFFF  }
0xc3: {  	(tm) =	ssettm $0x7FFFFFFF  }
tec
execute0_lowered:
.L_overlay_start_1:
0x0: {  	(tag) =	ssettag $0x1  }
0x1: {  	s1 =	rddreg [dreg:$0x0]  }
0x2: {  	s5 =	rddreg [dreg:$0x1]  }
0x3: {  	s3 =	rddreg [dreg:$0x2];
	s4 =	simm.s32 $0x0;
	s15 =	stileid.u32  }
0x4: {  	s7 =	srdreg.scid;
	s28 =	simm.s32 $0x10;
	s29 =	simm.s32 $0x11  }
0x5: {  	s30 =	simm.s32 $0x12;
	s31 =	simm.s32 $0x13;
	[smem:$0x7FF] =	sst s4  }
0x6: {  	s6 =	smul.u32 $0x13800, s15;
	s0 =	sadd.s32 $0x1F400, s5;
	s2 =	sadd.s32 $0x15400, s5  }
0x7: {  	s7 =	sand.u32 $0x1, s7;
	s10 =	smul.u32 $0x4E000, s15;
	s11 =	sadd.s32 $0x50A00, s5  }
0x8: {  	s24 =	sshll.u32 s15, $0x6;
	s25 =	smul.u32 $0x2800, s15;
	s26 =	sadd.s32 $0x138000, s3  }
0x9: {  	p0 =	sne.s32 s15, $0xF;
	_ =	strace $0x8000004A;
	s9 =	sshll.u32 s7, $0x4  }
0xa: {  	s12 =	ssub.s32 $0x2, s7;
	s23 =	smul.u32 $0x28000, s7;
	s16 =	sor.u32 $0x1C15, s24  }
0xb: {  	[dreg:$0x11] =	wrdreg s26;
	s7 =	smul.u32 $0x138800, s7;
	s8 =	sshrl.u32 s6, $0x3  }
0xc: {  	s9 =	sor.u32 s15, s9;
	s13 =	sshrl.u32 s12, $0x1;
	s10 =	sshrl.u32 s10, $0x2  }
0xd: {  	s8 =	sadd.s32 s8, s5;
	s9 =	smul.u32 $0x2800, s9;
	s12 =	ssub.s32 s12, s13  }
0xe: {  	s10 =	sadd.s32 s10, s3;
	s5 =	sadd.s32 $0x50400, s5;
	s6 =	sadd.s32 s6, s7  }
0xf: {  	s7 =	sshrl.u32 s7, $0x3;
	[dreg:$0xe] =	wrdreg s10;
	s8 =	sadd.s32 $0x29400, s8  }
0x10: {  	[dreg:$0x12] =	wrdreg s5;
	s5 =	sadd.s32 s25, s23;
	s6 =	sshrl.u32 s6, $0x3  }
0x11: {  	s7 =	sadd.s32 s11, s7;
	[dreg:$0xf] =	wrdreg s8;
	s8 =	sshrl.u32 s9, $0x3  }
0x12: {  	s10 =	sor.u32 $0x240, s5;
	s24 =	sor.u32 $0x1C0, s5;
	s6 =	sadd.s32 s11, s6  }
0x13: {  	s13 =	sor.u32 $0x180, s5;
	s9 =	sadd.s32 s0, s8;
	[dreg:$0x19] =	wrdreg s6  }
0x14: {  	s14 =	sor.u32 $0x8, s8;
	[dreg:$0x13] =	wrdreg s9;
	s9 =	sadd.s32 s2, s8  }
0x15: {  	s18 =	sshrl.u32 s10, $0x3;
	s17 =	sadd.s32 s0, s14;
	[dreg:$0x14] =	wrdreg s9  }
0x16: {  	s19 =	sor.u32 $0x10, s8;
	s20 =	sadd.s32 s18, s2;
	[dreg:$0x15] =	wrdreg s17  }
0x17: {  	s22 =	sadd.s32 s0, s19;
	s10 =	sadd.s32 s2, s19;
	[dreg:$0x4] =	wrdreg s20  }
0x18: {  	s19 =	sor.u32 $0x18, s8;
	s9 =	sadd.s32 s2, s14;
	[dreg:$0x17] =	wrdreg s22  }
0x19: {  	s14 =	sor.u32 $0x200, s5;
	[dreg:$0x18] =	wrdreg s10;
	s17 =	sshrl.u32 s13, $0x3  }
0x1a: {  	s20 =	sadd.s32 s0, s19;
	s5 =	sor.u32 $0x140, s5;
	[dreg:$0x16] =	wrdreg s9  }
0x1b: {  	s22 =	sor.u32 $0x20, s8;
	s9 =	sadd.s32 s18, s0;
	[dreg:$0x1a] =	wrdreg s20  }
0x1c: {  	s13 =	simm.s32 $0x13B00;
	s18 =	sadd.s32 s17, s2;
	[dreg:$0x5] =	wrdreg s9  }
0x1d: {  	s21 =	sshrl.u32 s14, $0x3;
	s6 =	sadd.s32 s0, s22;
	[dreg:$0xa] =	wrdreg s18  }
0x1e: {  	s10 =	simm.s32 $0x13C00;
	s23 =	sadd.s32 s21, s2;
	[dreg:$0x1d] =	wrdreg s6  }
0x1f: {  	s8 =	simm.s32 $0x40;
	s25 =	sadd.s32 s21, s0;
	[dreg:$0x6] =	wrdreg s23  }
0x20: {  	s5 =	sshrl.u32 s5, $0x3;
	s21 =	sadd.s32 s2, s19;
	[dreg:$0x7] =	wrdreg s25  }
0x21: {  	s9 =	sshrl.u32 s24, $0x3;
	s24 =	sadd.s32 s2, s22;
	[dreg:$0x1b] =	wrdreg s21  }
0x22: {  	s6 =	simm.s32 $0x13B80;
	s26 =	sadd.s32 s9, s2;
	[dreg:$0x1c] =	wrdreg s24  }
0x23: {  	s19 =	simm.s32 $0x7;
	s14 =	sadd.s32 s9, s0;
	[dreg:$0x8] =	wrdreg s26  }
0x24: {  	s23 =	sadd.s32 s17, s0;
	s2 =	sadd.s32 s5, s2;
	[dreg:$0x9] =	wrdreg s14  }
0x25: {  	s0 =	sadd.s32 s5, s0;
	s5 =	smov.u32 s16;
	[dreg:$0xb] =	wrdreg s23  }
0x26: {  	s25 =	sadd.s32 $0x27000, s7;
	s9 =	simm.s32 $0x15;
	[dreg:$0xc] =	wrdreg s2  }
0x27: {  	s16 =	simm.s32 $0x6;
	s21 =	simm.s32 $0x8;
	[dreg:$0x1e] =	wrdreg s25  }
0x28: {  	s24 =	simm.s32 $0xA;
	s7 =	simm.s32 $0x0;
	[dreg:$0xd] =	wrdreg s0  }
0x29: {  	s26 =	smax.u32 s12, $0x1;
	s14 =	simm.s32 $0x13C80;
	[dreg:$0x10] =	wrdreg s5  }
0x2a: {  	s23 =	simm.s32 $0x9;
	s0 =	simm.s32 $0x14;
	[dreg:$0x1f] =	wrdreg s26  }
.LBB2_1:
0x2b: {  	[smem:$0x7FB] =	sst s7  }
0x2c: {  	s2 =	rddreg [dreg:$0xe]  }
0x2d: {  	s26 =	rddreg [dreg:$0xf];
	s25 =	sshrl.u32 s2, $0x3  }
0x2e: {  	[smem:$0x7FC] =	sst s25  }
0x2f: {  	[spmem:s25], [sflag:s5] =	dma.local [hbm:s26], $0x2700  }
0x30: {  	_ =	swait.ge [sflag:s9], $0x2700  }
0x31: {  	s2 =	rddreg [dreg:$0x11]  }
0x32: {  	[sflag:s9] =	ssyncset.done $0x0;
	s7 =	sshrl.u32 @!p0 s2, $0x3;
	s2 =	rddreg [dreg:$0x12]  }
0x33: {  	[sflag:s9] =	ssyncadd.s32 $0xFFFFD900;
	[smem:$0x7FD] =	sst s7  }
0x34: {  	[spmem:s7], [sflag:s5] =	dma.local @!p0 [hbm:s2], $0x500  }
0x35: {  	s2 =	simm.s32 @!p0 $0x15  }
0x36: {  	_ =	swait.ge @!p0 [sflag:s2], $0x500  }
0x37: {  	[sflag:s2] =	ssyncset.done @!p0 $0x0  }
0x38: {  	[sflag:s2] =	ssyncadd.s32 @!p0 $0xFFFFFB00  }
0x39: {  	[bflag:$0x0] =	sbarrier.arrive $0xFFFF  }
0x3a: {  	s26 =	simm.s32 $0x13A80;
	s5 =	rddreg [dreg:$0x13]  }
0x3b: {  	[tilespmem:s26], [sflag:$0x6] =	stream.linear.gather [hbm4b:s5+s4], $0x40, $0x38;
	[tilespmem:$0x1DF80] =	vst v63  }
0x3c: {  	s7 =	rddreg [dreg:$0x14];
	s5 =	simm.s32 $0x13D00  }
0x3d: {  	[tilespmem:s5], [sflag:$0xB] =	stream.linear.gather [hbm4b:s7+s4], $0x40, $0x38;
	[tilespmem:$0x1DF80] =	vst v63  }
0x3e: {  	s9 =	rddreg [dreg:$0x15]  }
0x3f: {  	[tilespmem:s13], [sflag:$0x7] =	stream.linear.gather [hbm4b:s9+s4], $0x40, $0x38;
	[tilespmem:$0x1DF80] =	vst v63  }
0x40: {  	s11 =	rddreg [dreg:$0x16];
	s9 =	simm.s32 $0x13D80  }
0x41: {  	[tilespmem:s9], [sflag:$0xC] =	stream.linear.gather [hbm4b:s11+s4], $0x40, $0x38;
	[tilespmem:$0x1DF80] =	vst v63  }
0x42: {  	s12 =	rddreg [dreg:$0x17]  }
0x43: {  	[tilespmem:s6], [sflag:$0x8] =	stream.linear.gather [hbm4b:s12+s4], $0x40, $0x38;
	[tilespmem:$0x1DF80] =	vst v63  }
0x44: {  	s15 =	rddreg [dreg:$0x18];
	s11 =	simm.s32 $0x13E00  }
0x45: {  	[tilespmem:s11], [sflag:$0xD] =	stream.linear.gather [hbm4b:s15+s4], $0x40, $0x38;
	[tilespmem:$0x1DF80] =	vst v63  }
0x46: {  	s17 =	rddreg [dreg:$0x1a]  }
0x47: {  	[tilespmem:s10], [sflag:$0x9] =	stream.linear.gather [hbm4b:s17+s4], $0x40, $0x38;
	[tilespmem:$0x1DF80] =	vst v63  }
0x48: {  	s18 =	rddreg [dreg:$0x1b];
	s12 =	simm.s32 $0x13E80  }
0x49: {  	[tilespmem:s12], [sflag:$0xE] =	stream.linear.gather [hbm4b:s18+s4], $0x40, $0x38;
	[tilespmem:$0x1DF80] =	vst v63  }
0x4a: {  	s20 =	rddreg [dreg:$0x1d]  }
0x4b: {  	[tilespmem:s14], [sflag:$0xA] =	stream.linear.gather [hbm4b:s20+s4], $0x40, $0x38;
	[tilespmem:$0x1DF80] =	vst v63  }
0x4c: {  	s22 =	rddreg [dreg:$0x1c];
	s15 =	simm.s32 $0x13F00  }
0x4d: {  	[tilespmem:s15], [sflag:$0xF] =	stream.linear.gather [hbm4b:s22+s4], $0x40, $0x38;
	[tilespmem:$0x1DF80] =	vst v63  }
0x4e: {  	_ =	swait.ge [sflag:s16], $0x40  }
0x4f: {  	[sflag:s16] =	ssyncset.done $0x0  }
0x50: {  	s17 =	simm.s32 $0x13F80;
	[sflag:s16] =	ssyncadd.s32 $0xFFFFFFC0  }
0x51: {  	[tilespmem:s17], [sflag:$0x1] =	stream.indirect.gather [hbm4b:s1+s8], $0x80, s26, s8, $0xb8;
	[tilespmem:$0x1DF80] =	vst v63  }
0x52: {  	_ =	swait.ge [sflag:s19], $0x40  }
0x53: {  	[sflag:s19] =	ssyncset.done $0x0  }
0x54: {  	s18 =	simm.s32 $0x15F80;
	[sflag:s19] =	ssyncadd.s32 $0xFFFFFFC0  }
0x55: {  	[tilespmem:s18], [sflag:$0x2] =	stream.indirect.gather [hbm4b:s1+s8], $0x80, s13, s8, $0xb8;
	[tilespmem:$0x1DF80] =	vst v63  }
0x56: {  	_ =	swait.ge [sflag:s21], $0x40  }
0x57: {  	[sflag:s21] =	ssyncset.done $0x0  }
0x58: {  	s20 =	simm.s32 $0x17F80;
	[sflag:s21] =	ssyncadd.s32 $0xFFFFFFC0  }
0x59: {  	[tilespmem:s20], [sflag:$0x3] =	stream.indirect.gather [hbm4b:s1+s8], $0x80, s6, s8, $0xb8;
	[tilespmem:$0x1DF80] =	vst v63  }
0x5a: {  	_ =	swait.ge [sflag:s23], $0x40  }
0x5b: {  	[sflag:s23] =	ssyncset.done $0x0  }
0x5c: {  	s7 =	simm.s32 $0x19F80;
	[sflag:s23] =	ssyncadd.s32 $0xFFFFFFC0  }
0x5d: {  	[tilespmem:s7], [sflag:$0x4] =	stream.indirect.gather [hbm4b:s1+s8], $0x80, s10, s8, $0xb8;
	[tilespmem:$0x1DF80] =	vst v63  }
0x5e: {  	_ =	swait.ge [sflag:s24], $0x40  }
0x5f: {  	[sflag:s24] =	ssyncset.done $0x0  }
0x60: {  	s25 =	simm.s32 $0x1;
	s22 =	simm.s32 $0x1BF80;
	[sflag:s24] =	ssyncadd.s32 $0xFFFFFFC0  }
0x61: {  	[tilespmem:s22], [sflag:$0x5] =	stream.indirect.gather [hbm4b:s1+s8], $0x80, s14, s8, $0xb8;
	[tilespmem:$0x1DF80] =	vst v63  }
0x62: {  	_ =	swait.ge [sflag:s25], $0x2000  }
0x63: {  	s2 =	rddreg [dreg:$0xd];
	[sflag:s25] =	ssyncset.done $0x0  }
0x64: {  	[sflag:s25] =	ssyncadd.s32 $0xFFFFE000;
	s2 =	sadd.s32 $0x0, s2;
	s25 =	simm.s32 $0xB  }
0x65: {  	[tilespmem:s26], [sflag:$0x6] =	stream.linear.gather [hbm4b:s2+s4], $0x40, $0x38;
	[tilespmem:$0x1DF80] =	vst v63  }
0x66: {  	_ =	swait.ge [sflag:s25], $0x40  }
0x67: {  	[sflag:s25] =	ssyncset.done $0x0  }
0x68: {  	[sflag:s25] =	ssyncadd.s32 $0xFFFFFFC0;
	s25 =	simm.s32 $0x2  }
0x69: {  	[spmem:s3] =	stream.indirect.scatter.add.f32 [tilespmem:s17], [sflag:$0x10], $0x80, s5, s8, $0xb8;
	[tilespmem:$0x1DF80] =	vst v63  }
0x6a: {  	_ =	swait.ge [sflag:s25], $0x2000  }
0x6b: {  	s2 =	rddreg [dreg:$0xb];
	[sflag:s25] =	ssyncset.done $0x0  }
0x6c: {  	[sflag:s25] =	ssyncadd.s32 $0xFFFFE000;
	s2 =	sadd.s32 $0x0, s2;
	s25 =	simm.s32 $0xC  }
0x6d: {  	[tilespmem:s13], [sflag:$0x7] =	stream.linear.gather [hbm4b:s2+s4], $0x40, $0x38;
	[tilespmem:$0x1DF80] =	vst v63  }
0x6e: {  	_ =	swait.ge [sflag:s25], $0x40  }
0x6f: {  	[sflag:s25] =	ssyncset.done $0x0  }
0x70: {  	[sflag:s25] =	ssyncadd.s32 $0xFFFFFFC0;
	s25 =	simm.s32 $0x3  }
0x71: {  	[spmem:s3] =	stream.indirect.scatter.add.f32 [tilespmem:s18], [sflag:$0x11], $0x80, s9, s8, $0xb8;
	[tilespmem:$0x1DF80] =	vst v63  }
0x72: {  	_ =	swait.ge [sflag:s25], $0x2000  }
0x73: {  	s2 =	rddreg [dreg:$0x9];
	[sflag:s25] =	ssyncset.done $0x0  }
0x74: {  	[sflag:s25] =	ssyncadd.s32 $0xFFFFE000;
	s2 =	sadd.s32 $0x0, s2;
	s25 =	simm.s32 $0xD  }
0x75: {  	[tilespmem:s6], [sflag:$0x8] =	stream.linear.gather [hbm4b:s2+s4], $0x40, $0x38;
	[tilespmem:$0x1DF80] =	vst v63  }
0x76: {  	_ =	swait.ge [sflag:s25], $0x40  }
0x77: {  	[sflag:s25] =	ssyncset.done $0x0  }
0x78: {  	[sflag:s25] =	ssyncadd.s32 $0xFFFFFFC0;
	s25 =	simm.s32 $0x4  }
0x79: {  	[spmem:s3] =	stream.indirect.scatter.add.f32 [tilespmem:s20], [sflag:$0x12], $0x80, s11, s8, $0xb8;
	[tilespmem:$0x1DF80] =	vst v63  }
0x7a: {  	_ =	swait.ge [sflag:s25], $0x2000  }
0x7b: {  	s2 =	rddreg [dreg:$0x7];
	[sflag:s25] =	ssyncset.done $0x0  }
0x7c: {  	[sflag:s25] =	ssyncadd.s32 $0xFFFFE000;
	s2 =	sadd.s32 $0x0, s2;
	s25 =	simm.s32 $0xE  }
0x7d: {  	[tilespmem:s10], [sflag:$0x9] =	stream.linear.gather [hbm4b:s2+s4], $0x40, $0x38;
	[tilespmem:$0x1DF80] =	vst v63  }
0x7e: {  	_ =	swait.ge [sflag:s25], $0x40  }
0x7f: {  	[sflag:s25] =	ssyncset.done $0x0  }
0x80: {  	[sflag:s25] =	ssyncadd.s32 $0xFFFFFFC0;
	s25 =	simm.s32 $0x5  }
0x81: {  	[spmem:s3] =	stream.indirect.scatter.add.f32 [tilespmem:s7], [sflag:$0x13], $0x80, s12, s8, $0xb8;
	[tilespmem:$0x1DF80] =	vst v63  }
0x82: {  	_ =	swait.ge [sflag:s25], $0x2000  }
0x83: {  	s2 =	rddreg [dreg:$0x5];
	[sflag:s25] =	ssyncset.done $0x0  }
0x84: {  	[sflag:s25] =	ssyncadd.s32 $0xFFFFE000;
	s2 =	sadd.s32 $0x0, s2;
	s25 =	simm.s32 $0xF  }
0x85: {  	[tilespmem:s14], [sflag:$0xA] =	stream.linear.gather [hbm4b:s2+s4], $0x40, $0x38;
	[tilespmem:$0x1DF80] =	vst v63  }
0x86: {  	_ =	swait.ge [sflag:s25], $0x40  }
0x87: {  	[sflag:s25] =	ssyncset.done $0x0  }
0x88: {  	[sflag:s25] =	ssyncadd.s32 $0xFFFFFFC0  }
0x89: {  	[spmem:s3] =	stream.indirect.scatter.add.f32 [tilespmem:s22], [sflag:$0x14], $0x80, s15, s8, $0xb8;
	[tilespmem:$0x1DF80] =	vst v63  }
0x8a: {  	_ =	swait.ge [sflag:s16], $0x40  }
0x8b: {  	[sflag:s16] =	ssyncset.done $0x0  }
0x8c: {  	[sflag:s16] =	ssyncadd.s32 $0xFFFFFFC0  }
0x8d: {  	_ =	swait.ge [sflag:s28], $0x2000  }
0x8e: {  	[sflag:s28] =	ssyncset.done $0x0  }
0x8f: {  	s16 =	rddreg [dreg:$0xc];
	[sflag:s28] =	ssyncadd.s32 $0xFFFFE000  }
0x90: {  	[tilespmem:s17], [sflag:$0x1] =	stream.indirect.gather [hbm4b:s1+s8], $0x80, s26, s8, $0xb8;
	[tilespmem:$0x1DF80] =	vst v63  }
0x91: {  	s2 =	sadd.s32 $0x0, s16  }
0x92: {  	[tilespmem:s5], [sflag:$0xB] =	stream.linear.gather [hbm4b:s2+s4], $0x40, $0x38;
	[tilespmem:$0x1DF80] =	vst v63  }
0x93: {  	_ =	swait.ge [sflag:s19], $0x40  }
0x94: {  	[sflag:s19] =	ssyncset.done $0x0  }
0x95: {  	[sflag:s19] =	ssyncadd.s32 $0xFFFFFFC0  }
0x96: {  	_ =	swait.ge [sflag:s29], $0x2000  }
0x97: {  	[sflag:s29] =	ssyncset.done $0x0  }
0x98: {  	s19 =	rddreg [dreg:$0xa];
	[sflag:s29] =	ssyncadd.s32 $0xFFFFE000  }
0x99: {  	[tilespmem:s18], [sflag:$0x2] =	stream.indirect.gather [hbm4b:s1+s8], $0x80, s13, s8, $0xb8;
	[tilespmem:$0x1DF80] =	vst v63  }
0x9a: {  	s2 =	sadd.s32 $0x0, s19  }
0x9b: {  	[tilespmem:s9], [sflag:$0xC] =	stream.linear.gather [hbm4b:s2+s4], $0x40, $0x38;
	[tilespmem:$0x1DF80] =	vst v63  }
0x9c: {  	_ =	swait.ge [sflag:s21], $0x40  }
0x9d: {  	[sflag:s21] =	ssyncset.done $0x0  }
0x9e: {  	[sflag:s21] =	ssyncadd.s32 $0xFFFFFFC0  }
0x9f: {  	_ =	swait.ge [sflag:s30], $0x2000  }
0xa0: {  	[sflag:s30] =	ssyncset.done $0x0  }
0xa1: {  	s21 =	rddreg [dreg:$0x8];
	[sflag:s30] =	ssyncadd.s32 $0xFFFFE000  }
0xa2: {  	[tilespmem:s20], [sflag:$0x3] =	stream.indirect.gather [hbm4b:s1+s8], $0x80, s6, s8, $0xb8;
	[tilespmem:$0x1DF80] =	vst v63  }
0xa3: {  	s2 =	sadd.s32 $0x0, s21  }
0xa4: {  	[tilespmem:s11], [sflag:$0xD] =	stream.linear.gather [hbm4b:s2+s4], $0x40, $0x38;
	[tilespmem:$0x1DF80] =	vst v63  }
0xa5: {  	_ =	swait.ge [sflag:s23], $0x40  }
0xa6: {  	[sflag:s23] =	ssyncset.done $0x0  }
0xa7: {  	[sflag:s23] =	ssyncadd.s32 $0xFFFFFFC0  }
0xa8: {  	_ =	swait.ge [sflag:s31], $0x2000  }
0xa9: {  	[sflag:s31] =	ssyncset.done $0x0  }
0xaa: {  	s25 =	rddreg [dreg:$0x6];
	[sflag:s31] =	ssyncadd.s32 $0xFFFFE000  }
0xab: {  	[tilespmem:s7], [sflag:$0x4] =	stream.indirect.gather [hbm4b:s1+s8], $0x80, s10, s8, $0xb8;
	[tilespmem:$0x1DF80] =	vst v63  }
0xac: {  	s2 =	sadd.s32 $0x0, s25  }
0xad: {  	[tilespmem:s12], [sflag:$0xE] =	stream.linear.gather [hbm4b:s2+s4], $0x40, $0x38;
	[tilespmem:$0x1DF80] =	vst v63  }
0xae: {  	_ =	swait.ge [sflag:s24], $0x40  }
0xaf: {  	[sflag:s24] =	ssyncset.done $0x0  }
0xb0: {  	s16 =	simm.s32 $0x13C80;
	[sflag:s24] =	ssyncadd.s32 $0xFFFFFFC0  }
0xb1: {  	s18 =	simm.s32 $0x6;
	s6 =	simm.s32 $0x13B80;
	_ =	swait.ge [sflag:s0], $0x2000  }
0xb2: {  	s2 =	simm.s32 $0x28;
	[sflag:s0] =	ssyncset.done $0x0;
	s26 =	rddreg [dreg:$0x4]  }
0xb3: {  	s12 =	simm.s32 $0x13C00;
	[sflag:s0] =	ssyncadd.s32 $0xFFFFE000;
	s5 =	sadd.s32 $0x0, s26  }
0xb4: {  	[tilespmem:s22], [sflag:$0x5] =	stream.indirect.gather [hbm4b:s1+s8], $0x80, s14, s8, $0xb8;
	[tilespmem:$0x1DF80] =	vst v63  }
.LBB2_2:
0xb5: {  	s11 =	simm.s32 $0x13F00;
	s7 =	simm.s32 $0x1  }
0xb6: {  	[tilespmem:s11], [sflag:$0xF] =	stream.linear.gather [hbm4b:s5+s4], $0x40, $0x38;
	[tilespmem:$0x1DF80] =	vst v63  }
0xb7: {  	s22 =	simm.s32 $0x13A80;
	_ =	swait.ge [sflag:s7], $0x2000  }
0xb8: {  	s5 =	smov.u32 s2;
	s9 =	rddreg [dreg:$0xd];
	[sflag:s7] =	ssyncset.done $0x0  }
0xb9: {  	s19 =	simm.s32 $0xB;
	[sflag:s7] =	ssyncadd.s32 $0xFFFFE000;
	s9 =	sadd.s32 s5, s9  }
0xba: {  	[tilespmem:s22], [sflag:$0x6] =	stream.linear.gather [hbm4b:s9+s4], $0x40, $0x38;
	[tilespmem:$0x1DF80] =	vst v63  }
0xbb: {  	_ =	swait.ge [sflag:s19], $0x40  }
0xbc: {  	s13 =	simm.s32 $0x13D00;
	[sflag:s19] =	ssyncset.done $0x0  }
0xbd: {  	s20 =	simm.s32 $0x2;
	[sflag:s19] =	ssyncadd.s32 $0xFFFFFFC0;
	s19 =	simm.s32 $0x13F80  }
0xbe: {  	[spmem:s3] =	stream.indirect.scatter.add.f32 [tilespmem:s19], [sflag:$0x10], $0x80, s13, s8, $0xb8;
	[tilespmem:$0x1DF80] =	vst v63  }
0xbf: {  	_ =	swait.ge [sflag:s20], $0x2000  }
0xc0: {  	s15 =	simm.s32 $0x13B00;
	s21 =	rddreg [dreg:$0xb];
	[sflag:s20] =	ssyncset.done $0x0  }
0xc1: {  	s23 =	simm.s32 $0xC;
	[sflag:s20] =	ssyncadd.s32 $0xFFFFE000;
	s9 =	sadd.s32 s5, s21  }
0xc2: {  	[tilespmem:s15], [sflag:$0x7] =	stream.linear.gather [hbm4b:s9+s4], $0x40, $0x38;
	[tilespmem:$0x1DF80] =	vst v63  }
0xc3: {  	_ =	swait.ge [sflag:s23], $0x40  }
0xc4: {  	s17 =	simm.s32 $0x13D80;
	[sflag:s23] =	ssyncset.done $0x0  }
0xc5: {  	s24 =	simm.s32 $0x3;
	s21 =	simm.s32 $0x15F80;
	[sflag:s23] =	ssyncadd.s32 $0xFFFFFFC0  }
0xc6: {  	[spmem:s3] =	stream.indirect.scatter.add.f32 [tilespmem:s21], [sflag:$0x11], $0x80, s17, s8, $0xb8;
	[tilespmem:$0x1DF80] =	vst v63  }
0xc7: {  	_ =	swait.ge [sflag:s24], $0x2000  }
0xc8: {  	s25 =	rddreg [dreg:$0x9];
	[sflag:s24] =	ssyncset.done $0x0  }
0xc9: {  	s26 =	simm.s32 $0xD;
	[sflag:s24] =	ssyncadd.s32 $0xFFFFE000;
	s9 =	sadd.s32 s5, s25  }
0xca: {  	[tilespmem:s6], [sflag:$0x8] =	stream.linear.gather [hbm4b:s9+s4], $0x40, $0x38;
	[tilespmem:$0x1DF80] =	vst v63  }
0xcb: {  	_ =	swait.ge [sflag:s26], $0x40  }
0xcc: {  	s10 =	simm.s32 $0x13E00;
	[sflag:s26] =	ssyncset.done $0x0  }
0xcd: {  	s23 =	simm.s32 $0x17F80;
	s9 =	simm.s32 $0x4;
	[sflag:s26] =	ssyncadd.s32 $0xFFFFFFC0  }
0xce: {  	[spmem:s3] =	stream.indirect.scatter.add.f32 [tilespmem:s23], [sflag:$0x12], $0x80, s10, s8, $0xb8;
	[tilespmem:$0x1DF80] =	vst v63  }
0xcf: {  	_ =	swait.ge [sflag:s9], $0x2000  }
0xd0: {  	s14 =	rddreg [dreg:$0x7];
	[sflag:s9] =	ssyncset.done $0x0  }
0xd1: {  	s15 =	simm.s32 $0xE;
	[sflag:s9] =	ssyncadd.s32 $0xFFFFE000;
	s9 =	sadd.s32 s5, s14  }
0xd2: {  	[tilespmem:s12], [sflag:$0x9] =	stream.linear.gather [hbm4b:s9+s4], $0x40, $0x38;
	[tilespmem:$0x1DF80] =	vst v63  }
0xd3: {  	_ =	swait.ge [sflag:s15], $0x40  }
0xd4: {  	s20 =	simm.s32 $0x5;
	[sflag:s15] =	ssyncset.done $0x0  }
0xd5: {  	s24 =	simm.s32 $0x19F80;
	s14 =	simm.s32 $0x13E80;
	[sflag:s15] =	ssyncadd.s32 $0xFFFFFFC0  }
0xd6: {  	[spmem:s3] =	stream.indirect.scatter.add.f32 [tilespmem:s24], [sflag:$0x13], $0x80, s14, s8, $0xb8;
	[tilespmem:$0x1DF80] =	vst v63  }
0xd7: {  	_ =	swait.ge [sflag:s20], $0x2000  }
0xd8: {  	s25 =	rddreg [dreg:$0x5];
	[sflag:s20] =	ssyncset.done $0x0  }
0xd9: {  	s26 =	simm.s32 $0xF;
	[sflag:s20] =	ssyncadd.s32 $0xFFFFE000;
	s9 =	sadd.s32 s5, s25  }
0xda: {  	[tilespmem:s16], [sflag:$0xA] =	stream.linear.gather [hbm4b:s9+s4], $0x40, $0x38;
	[tilespmem:$0x1DF80] =	vst v63  }
0xdb: {  	_ =	swait.ge [sflag:s26], $0x40  }
0xdc: {  	[sflag:s26] =	ssyncset.done $0x0  }
0xdd: {  	[sflag:s26] =	ssyncadd.s32 $0xFFFFFFC0;
	s26 =	simm.s32 $0x1BF80  }
0xde: {  	[spmem:s3] =	stream.indirect.scatter.add.f32 [tilespmem:s26], [sflag:$0x14], $0x80, s11, s8, $0xb8;
	[tilespmem:$0x1DF80] =	vst v63  }
0xdf: {  	_ =	swait.ge [sflag:s18], $0x40  }
0xe0: {  	[sflag:s18] =	ssyncset.done $0x0  }
0xe1: {  	[sflag:s18] =	ssyncadd.s32 $0xFFFFFFC0  }
0xe2: {  	_ =	swait.ge [sflag:s28], $0x2000  }
0xe3: {  	[sflag:s28] =	ssyncset.done $0x0  }
0xe4: {  	s7 =	rddreg [dreg:$0xc];
	[sflag:s28] =	ssyncadd.s32 $0xFFFFE000  }
0xe5: {  	[tilespmem:s19], [sflag:$0x1] =	stream.indirect.gather [hbm4b:s1+s8], $0x80, s22, s8, $0xb8;
	[tilespmem:$0x1DF80] =	vst v63  }
0xe6: {  	s9 =	sadd.s32 s5, s7;
	s19 =	simm.s32 $0x7  }
0xe7: {  	[tilespmem:s13], [sflag:$0xB] =	stream.linear.gather [hbm4b:s9+s4], $0x40, $0x38;
	[tilespmem:$0x1DF80] =	vst v63  }
0xe8: {  	_ =	swait.ge [sflag:s19], $0x40  }
0xe9: {  	[sflag:s19] =	ssyncset.done $0x0  }
0xea: {  	[sflag:s19] =	ssyncadd.s32 $0xFFFFFFC0  }
0xeb: {  	_ =	swait.ge [sflag:s29], $0x2000  }
0xec: {  	[sflag:s29] =	ssyncset.done $0x0  }
0xed: {  	s13 =	simm.s32 $0x13B00;
	s11 =	rddreg [dreg:$0xa];
	[sflag:s29] =	ssyncadd.s32 $0xFFFFE000  }
0xee: {  	[tilespmem:s21], [sflag:$0x2] =	stream.indirect.gather [hbm4b:s1+s8], $0x80, s13, s8, $0xb8;
	[tilespmem:$0x1DF80] =	vst v63  }
0xef: {  	s9 =	sadd.s32 s5, s11;
	s21 =	simm.s32 $0x8  }
0xf0: {  	[tilespmem:s17], [sflag:$0xC] =	stream.linear.gather [hbm4b:s9+s4], $0x40, $0x38;
	[tilespmem:$0x1DF80] =	vst v63  }
0xf1: {  	_ =	swait.ge [sflag:s21], $0x40  }
0xf2: {  	[sflag:s21] =	ssyncset.done $0x0  }
0xf3: {  	[sflag:s21] =	ssyncadd.s32 $0xFFFFFFC0  }
0xf4: {  	_ =	swait.ge [sflag:s30], $0x2000  }
0xf5: {  	[sflag:s30] =	ssyncset.done $0x0  }
0xf6: {  	s25 =	rddreg [dreg:$0x8];
	[sflag:s30] =	ssyncadd.s32 $0xFFFFE000  }
0xf7: {  	[tilespmem:s23], [sflag:$0x3] =	stream.indirect.gather [hbm4b:s1+s8], $0x80, s6, s8, $0xb8;
	[tilespmem:$0x1DF80] =	vst v63  }
0xf8: {  	s9 =	sadd.s32 s5, s25;
	s23 =	simm.s32 $0x9  }
0xf9: {  	[tilespmem:s10], [sflag:$0xD] =	stream.linear.gather [hbm4b:s9+s4], $0x40, $0x38;
	[tilespmem:$0x1DF80] =	vst v63  }
0xfa: {  	_ =	swait.ge [sflag:s23], $0x40  }
0xfb: {  	[sflag:s23] =	ssyncset.done $0x0  }
0xfc: {  	[sflag:s23] =	ssyncadd.s32 $0xFFFFFFC0  }
0xfd: {  	_ =	swait.ge [sflag:s31], $0x2000  }
0xfe: {  	[sflag:s31] =	ssyncset.done $0x0  }
0xff: {  	p1 =	sne.s32 s2, $0x4B0;
	s10 =	rddreg [dreg:$0x6];
	[sflag:s31] =	ssyncadd.s32 $0xFFFFE000  }
0x100: {  	[tilespmem:s24], [sflag:$0x4] =	stream.indirect.gather [hbm4b:s1+s8], $0x80, s12, s8, $0xb8;
	[tilespmem:$0x1DF80] =	vst v63  }
0x101: {  	s2 =	sadd.s32 $0x28, s2;
	s9 =	sadd.s32 s5, s10;
	s24 =	simm.s32 $0xA  }
0x102: {  	[tilespmem:s14], [sflag:$0xE] =	stream.linear.gather [hbm4b:s9+s4], $0x40, $0x38;
	[tilespmem:$0x1DF80] =	vst v63  }
0x103: {  	s15 =	simm.s32 $0x13D00;
	s20 =	simm.s32 $0x13F80;
	_ =	swait.ge [sflag:s24], $0x40  }
0x104: {  	s7 =	simm.s32 $0x17F80;
	s22 =	simm.s32 $0x15F80;
	[sflag:s24] =	ssyncset.done $0x0  }
.Ltmp0:
0x105: {  	s11 =	simm.s32 $0x13D80;
	[sflag:s24] =	ssyncadd.s32 $0xFFFFFFC0;
	(pc) =	sbr.rel @p1 .LBB2_2-.Ltmp0, $4  }
0x106: {  	s17 =	simm.s32 $0x13E00;
	s25 =	simm.s32 $0x19F80;
	_ =	swait.ge [sflag:s0], $0x2000  }
0x107: {  	s10 =	simm.s32 $0x13E80;
	[sflag:s0] =	ssyncset.done $0x0;
	s9 =	rddreg [dreg:$0x4]  }
0x108: {  	s14 =	simm.s32 $0x1BF80;
	[sflag:s0] =	ssyncadd.s32 $0xFFFFE000;
	s5 =	sadd.s32 s5, s9  }
0x109: {  	[tilespmem:s26], [sflag:$0x5] =	stream.indirect.gather [hbm4b:s1+s8], $0x80, s16, s8, $0xb8;
	[tilespmem:$0x1DF80] =	vst v63  }
0x10a: {  	s2 =	simm.s32 $0x13F00;
	s18 =	simm.s32 $0x1  }
0x10b: {  	[tilespmem:s2], [sflag:$0xF] =	stream.linear.gather [hbm4b:s5+s4], $0x40, $0x38;
	[tilespmem:$0x1DF80] =	vst v63  }
0x10c: {  	_ =	swait.ge [sflag:s18], $0x2000  }
0x10d: {  	[sflag:s18] =	ssyncset.done $0x0  }
0x10e: {  	s26 =	simm.s32 $0xB;
	[sflag:s18] =	ssyncadd.s32 $0xFFFFE000  }
0x10f: {  	_ =	swait.ge [sflag:s26], $0x40  }
0x110: {  	[sflag:s26] =	ssyncset.done $0x0  }
0x111: {  	s6 =	simm.s32 $0x2;
	[sflag:s26] =	ssyncadd.s32 $0xFFFFFFC0  }
0x112: {  	[spmem:s3] =	stream.indirect.scatter.add.f32 [tilespmem:s20], [sflag:$0x10], $0x80, s15, s8, $0xb8;
	[tilespmem:$0x1DF80] =	vst v63  }
0x113: {  	_ =	swait.ge [sflag:s6], $0x2000  }
0x114: {  	[sflag:s6] =	ssyncset.done $0x0  }
0x115: {  	s9 =	simm.s32 $0xC;
	[sflag:s6] =	ssyncadd.s32 $0xFFFFE000  }
0x116: {  	_ =	swait.ge [sflag:s9], $0x40  }
0x117: {  	[sflag:s9] =	ssyncset.done $0x0  }
0x118: {  	s12 =	simm.s32 $0x3;
	[sflag:s9] =	ssyncadd.s32 $0xFFFFFFC0  }
0x119: {  	[spmem:s3] =	stream.indirect.scatter.add.f32 [tilespmem:s22], [sflag:$0x11], $0x80, s11, s8, $0xb8;
	[tilespmem:$0x1DF80] =	vst v63  }
0x11a: {  	_ =	swait.ge [sflag:s12], $0x2000  }
0x11b: {  	[sflag:s12] =	ssyncset.done $0x0  }
0x11c: {  	s15 =	simm.s32 $0xD;
	[sflag:s12] =	ssyncadd.s32 $0xFFFFE000  }
0x11d: {  	_ =	swait.ge [sflag:s15], $0x40  }
0x11e: {  	[sflag:s15] =	ssyncset.done $0x0  }
0x11f: {  	s16 =	simm.s32 $0x4;
	[sflag:s15] =	ssyncadd.s32 $0xFFFFFFC0  }
0x120: {  	[spmem:s3] =	stream.indirect.scatter.add.f32 [tilespmem:s7], [sflag:$0x12], $0x80, s17, s8, $0xb8;
	[tilespmem:$0x1DF80] =	vst v63  }
0x121: {  	_ =	swait.ge [sflag:s16], $0x2000  }
0x122: {  	[sflag:s16] =	ssyncset.done $0x0  }
0x123: {  	s17 =	simm.s32 $0xE;
	[sflag:s16] =	ssyncadd.s32 $0xFFFFE000  }
0x124: {  	_ =	swait.ge [sflag:s17], $0x40  }
0x125: {  	[sflag:s17] =	ssyncset.done $0x0  }
0x126: {  	s18 =	simm.s32 $0x5;
	[sflag:s17] =	ssyncadd.s32 $0xFFFFFFC0  }
0x127: {  	[spmem:s3] =	stream.indirect.scatter.add.f32 [tilespmem:s25], [sflag:$0x13], $0x80, s10, s8, $0xb8;
	[tilespmem:$0x1DF80] =	vst v63  }
0x128: {  	_ =	swait.ge [sflag:s18], $0x2000  }
0x129: {  	[sflag:s18] =	ssyncset.done $0x0  }
0x12a: {  	s20 =	simm.s32 $0xF;
	[sflag:s18] =	ssyncadd.s32 $0xFFFFE000  }
0x12b: {  	_ =	swait.ge [sflag:s20], $0x40  }
0x12c: {  	[sflag:s20] =	ssyncset.done $0x0  }
0x12d: {  	[sflag:s20] =	ssyncadd.s32 $0xFFFFFFC0  }
0x12e: {  	[spmem:s3] =	stream.indirect.scatter.add.f32 [tilespmem:s14], [sflag:$0x14], $0x80, s2, s8, $0xb8;
	[tilespmem:$0x1DF80] =	vst v63  }
0x12f: {  	_ =	swait.ge [sflag:s28], $0x2000  }
0x130: {  	[sflag:s28] =	ssyncset.done $0x0  }
0x131: {  	[sflag:s28] =	ssyncadd.s32 $0xFFFFE000  }
0x132: {  	_ =	swait.ge [sflag:s29], $0x2000  }
0x133: {  	[sflag:s29] =	ssyncset.done $0x0  }
0x134: {  	[sflag:s29] =	ssyncadd.s32 $0xFFFFE000  }
0x135: {  	_ =	swait.ge [sflag:s30], $0x2000  }
0x136: {  	[sflag:s30] =	ssyncset.done $0x0  }
0x137: {  	[sflag:s30] =	ssyncadd.s32 $0xFFFFE000  }
0x138: {  	_ =	swait.ge [sflag:s31], $0x2000  }
0x139: {  	[sflag:s31] =	ssyncset.done $0x0  }
0x13a: {  	[sflag:s31] =	ssyncadd.s32 $0xFFFFE000  }
0x13b: {  	_ =	swait.ge [sflag:s0], $0x2000  }
0x13c: {  	[sflag:s0] =	ssyncset.done $0x0  }
0x13d: {  	[sflag:s0] =	ssyncadd.s32 $0xFFFFE000  }
0x13e: {  	[bflag:$0x0] =	sbarrier.arrive $0xFFFF  }
0x13f: {  	s6 =	sld [smem:$0x7FC]  }
0x140: {  	s5 =	rddreg [dreg:$0x10]  }
0x141: {  	s25 =	simm.s32 $0x15;
	s22 =	rddreg [dreg:$0x19]  }
0x142: {  	[hbm:s22], [sflag:s5] =	dma.local [spmem:s6], $0x2700  }
0x143: {  	_ =	swait.ge [sflag:s25], $0x2700  }
0x144: {  	s6 =	sld [smem:$0x7FD]  }
0x145: {  	[sflag:s25] =	ssyncset.done $0x0  }
0x146: {  	s2 =	rddreg [dreg:$0x1e];
	[sflag:s25] =	ssyncadd.s32 $0xFFFFD900  }
0x147: {  	[hbm:s2], [sflag:s5] =	dma.local @!p0 [spmem:s6], $0x100  }
0x148: {  	s2 =	simm.s32 @!p0 $0x15  }
0x149: {  	_ =	swait.ge @!p0 [sflag:s2], $0x100  }
0x14a: {  	s26 =	sld [smem:$0x7FB];
	_ =	sdelay $0x2  }
0x14b: {  	s9 =	rddreg [dreg:$0x1f];
	s7 =	sadd.s32 $0x1, s26  }
0x14c: {  	p1 =	sne.s32 s7, s9  }
.Ltmp1:
0x14d: {  	_ = 	snop;
	(pc) =	sbr.rel @p1 .LBB2_1-.Ltmp1, $4  }
0x14e: {  	_ = 	snop  }
0x14f: {  	s16 =	simm.s32 $0x6  }
0x150: {  	s10 =	simm.s32 $0x13C00;
	s14 =	simm.s32 $0x13C80;
	[sflag:s2] =	ssyncset.done @!p0 $0x0  }
0x151: {  	s6 =	simm.s32 $0x13B80;
	[sflag:s2] =	ssyncadd.s32 @!p0 $0xFFFFFF00;
	s9 =	simm.s32 $0x15  }
0x152: {  	_ =	sfence.sel $0x180000  }
0x153: {  	[bflag:$0x0] =	sbarrier.arrive $0xFFFF  }
0x154: {  	_ =	strace $0x9000004A  }
0x155: {  	s0 =	stileid.u32;
	[bflag:$0x2] =	sbarrier.arrive $0xFFFF  }
0x156: {  	p0 =	sne.s32 s0, $0x0;
	s0 =	rddreg [dreg:$0x3]  }
0x157: {  	s0 =	sadd.s32 @!p0 $0x100000, s0  }
0x158: {  	[sflag:s0] =	ssyncadd.tile.s32 @!p0 $0x1;
	_ =	shalt  }
.Lfunc_end2:
_tile_overlayer_lowered:
.L_overlay_start_2:
0x159: {  	(tag) =	ssettag $0x2  }
0x15a: {  	s0 =	rddreg [dreg:$0x0];
	s2 =	stileid.u32  }
0x15b: {  	s1 =	rddreg [dreg:$0x1];
	p0 =	sne.s32 s2, $0x0  }
0x15c: {  	s3 =	rddreg [dreg:$0x2];
	[bflag:$0x3] =	sbarrier.arrive $0xFFFF;
	s2 =	simm.s32 @!p0 $0x1C15  }
0x15d: {  	[timem:s3], [sflag:s2] =	dma.local @!p0 [hbm:s0], s1  }
0x15e: {  	s0 =	simm.s32 @!p0 $0x15  }
0x15f: {  	_ =	swait.ge @!p0 [sflag:s0], s1  }
0x160: {  	s1 =	ssub.s32 @!p0 $0x0, s1;
	[sflag:s0] =	ssyncset.done @!p0 $0x0  }
0x161: {  	[sflag:s0] =	ssyncadd.s32 @!p0 s1  }
0x162: {  	[bflag:$0x3] =	sbarrier.arrive $0xFFFF  }
0x163: {  	_ =	shalt  }

</sc_bundles>
